<compile_context>
chip_gen: v7x
topology: tpu7x:2x2x1
jax: 0.10.2.dev20260603
libtpu: 0.0.44.dev20260713+nightly
codegen_flags: <defaults>
</compile_context>

<pallas_src>
import jax
import jax.numpy as jnp
from jax import lax
from jax.experimental import pallas as pl
from jax.experimental.pallas import tpu as pltpu
from jax.experimental.pallas import tpu_sc as plsc

B, T, C = 64, 2048, 15
BLANK = C - 1
MAXLEN = 20
OUTW = 24
NC, NS, L = 2, 16, 16
ROWS_PER_W = B // (NC * NS)
CT = 128
NCHUNKS = T // CT
SUBCH = CT // L
NROWSEG = B // 8 * NCHUNKS * 8


def _decode_body(y_ref, out_ref, *scr):
    bufs = scr[0:ROWS_PER_W]
    obufs = scr[ROWS_PER_W:2 * ROWS_PER_W]
    sems = scr[2 * ROWS_PER_W:3 * ROWS_PER_W]
    osem = scr[3 * ROWS_PER_W]
    cid = lax.axis_index("c")
    sid = lax.axis_index("s")
    wid = sid * NC + cid
    lanes = lax.broadcasted_iota(jnp.int32, (L,), 0)
    neg1 = jnp.full((L,), -1, jnp.int32)
    cvec = jnp.minimum(lanes, C - 1)

    rows = [wid * ROWS_PER_W + r for r in range(ROWS_PER_W)]
    seg_bases = [cvec * NROWSEG + (row // 8) * (NCHUNKS * 8) + row % 8
                 for row in rows]
    descs = [pltpu.async_copy(y_ref.at[seg_bases[r]], bufs[r], sems[r])
             for r in range(ROWS_PER_W)]
    for ob in obufs:
        ob[pl.ds(0, L)] = neg1
        ob[pl.ds(OUTW - L, L)] = neg1

    out_descs = []
    for r in range(ROWS_PER_W):
        buf = bufs[r]
        obuf = obufs[r]

        def sub_body(s, carry, buf=buf, obuf=obuf):
            ntok, prevv = carry
            t0 = s * L
            bval = buf[0, pl.ds(t0, L)]
            btok = jnp.zeros((L,), jnp.int32)
            for c in range(1, C):
                v = buf[c, pl.ds(t0, L)]
                upd = v > bval
                bval = jnp.where(upd, v, bval)
                btok = jnp.where(upd, c, btok)
            shifted = jnp.take_along_axis(btok, jnp.maximum(lanes - 1, 0),
                                          axis=0)
            pvec = jnp.where(lanes == 0, prevv, shifted)
            keep = (btok != pvec) & (btok != BLANK)
            cum = plsc.cumsum(jnp.where(keep, 1, 0).astype(jnp.int32))
            rank = ntok + cum - 1
            wmask = keep & (rank < MAXLEN)
            plsc.store_scatter(obuf, [jnp.minimum(rank, MAXLEN)], btok,
                               mask=wmask)
            ntok = ntok + jnp.squeeze(lax.slice(cum, (L - 1,), (L,)))
            prevv = jnp.take_along_axis(
                btok, jnp.full((L,), L - 1, jnp.int32), axis=0)
            return ntok, prevv

        def sub_cond(carry):
            ss, ntok, _ = carry
            return (ss < SUBCH) & (ntok < MAXLEN)

        def sub_while_body(carry, sub_body=sub_body):
            ss, ntok, prevv = carry
            ntok, prevv = sub_body(ss, (ntok, prevv))
            return ss + 1, ntok, prevv

        descs[r].wait()
        _, ntok, prevv = lax.while_loop(sub_cond, sub_while_body,
                                        (jnp.int32(0), jnp.int32(0), neg1))

        def chunk_cond(carry):
            ct, ntok, _ = carry
            return (ct < NCHUNKS) & (ntok < MAXLEN)

        def chunk_body(carry, r=r, buf=buf, sub_cond=sub_cond,
                       sub_while_body=sub_while_body):
            ct, ntok, prevv = carry
            pltpu.async_copy(y_ref.at[seg_bases[r] + ct * 8], buf,
                             sems[r]).wait()
            _, ntok, prevv = lax.while_loop(sub_cond, sub_while_body,
                                            (jnp.int32(0), ntok, prevv))
            return ct + 1, ntok, prevv

        lax.while_loop(chunk_cond, chunk_body, (jnp.int32(1), ntok, prevv))
        out_descs.append(
            pltpu.async_copy(obufs[r], out_ref.at[rows[r]], osem))
    for d in out_descs:
        d.wait()


@jax.jit
def kernel(y_pred):
    y_view = (
        y_pred.transpose(2, 0, 1)
        .reshape(C, B // 8, 8, T // CT, CT)
        .transpose(0, 1, 3, 2, 4)
        .reshape(C * NROWSEG, CT)
    )
    mesh = plsc.VectorSubcoreMesh(core_axis_name="c", subcore_axis_name="s",
                                  num_cores=NC, num_subcores=NS)
    out = pl.kernel(
        _decode_body,
        out_type=jax.ShapeDtypeStruct((B, OUTW), jnp.int32),
        mesh=mesh,
        compiler_params=pltpu.CompilerParams(needs_layout_passes=False),
        scratch_types=(
            [pltpu.VMEM((L, CT), jnp.float32)] * ROWS_PER_W
            + [pltpu.VMEM((OUTW,), jnp.int32)] * ROWS_PER_W
            + [pltpu.SemaphoreType.DMA] * (ROWS_PER_W + 1)
        ),
    )(y_view)
    return out[:, :MAXLEN]

# --- scband reference (transcript-rebuilt; emitter-appended) ---
"""Pipeline reference for scband-ctcdecode-layer-65249143161669 (READ-ONLY COPY).

The authoritative reference and input builder live on the scoring server;
editing this copy changes nothing except your own understanding.
"""

import jax, jax.numpy as jnp
import numpy as np

MAX_LENGTH = 20


def setup_inputs(seed: int = 0) -> dict:
    key = jax.random.key(seed)
    y_pred = jax.random.normal(key, (64, 2048, 15), dtype=jnp.float32)
    return {"y_pred": y_pred}


def reference(y_pred):
    # Faithful jax translation of tf.keras.backend.ctc_decode(greedy=True)
    # followed by the [:, :MAX_LENGTH] slice. The final tf.strings.reduce_join
    # (num_to_char) step is a pure string-formatting lookup (index -> char) that
    # has no numeric analogue in jnp, so the decoded integer label indices are
    # returned (padding = -1, exactly like keras ctc_decode padding).
    B, T, C = y_pred.shape
    blank = C - 1  # tf.nn.ctc_greedy_decoder uses blank = num_classes - 1
    # input_length = full T for every batch element (ones(shape[0]) * T)
    best = jnp.argmax(y_pred, axis=-1)  # [B, T]
    # merge repeated: keep first of each run, drop blanks
    prev = jnp.concatenate([jnp.full((B, 1), -1, dtype=best.dtype), best[:, :-1]], axis=1)
    keep = (best != prev) & (best != blank)  # [B, T]
    # stable left-compaction of kept tokens: kept positions sort first, in order
    pos = jnp.arange(T, dtype=jnp.int32)[None, :]
    sort_key = jnp.where(keep, pos, pos + T)  # unique keys -> stable ordering
    order = jnp.argsort(sort_key, axis=1)  # [B, T]
    gathered = jnp.take_along_axis(best, order, axis=1)
    kept_sorted = jnp.take_along_axis(keep, order, axis=1)
    decoded = jnp.where(kept_sorted, gathered, -1)  # pad with -1 like ctc_decode
    return decoded[:, :MAX_LENGTH].astype(jnp.int32)

if __name__ == "__main__":
    import jax
    _d = setup_inputs()
    print(jax.jit(kernel)(*tuple(_d.values())))

</pallas_src>

<mosaic_0001>
#map = affine_map<(d0, d1) -> (0, 0)>
module attributes {stable_mosaic.version = 14 : i64} {
  func.func @_decode_body(%arg0: i32, %arg1: i32, %arg2: memref<15360x128xf32, #tpu.memory_space<hbm>>, %arg3: memref<64x24xi32, #tpu.memory_space<hbm>>, %arg4: memref<16x128xf32, #tpu.memory_space<vmem>>, %arg5: memref<16x128xf32, #tpu.memory_space<vmem>>, %arg6: memref<24xi32, #tpu.memory_space<vmem>>, %arg7: memref<24xi32, #tpu.memory_space<vmem>>, %arg8: memref<!tpu.dma_semaphore, #tpu.memory_space<semaphore_mem>>, %arg9: memref<!tpu.dma_semaphore, #tpu.memory_space<semaphore_mem>>, %arg10: memref<!tpu.dma_semaphore, #tpu.memory_space<semaphore_mem>>) attributes {dimension_semantics = [#tpu.dimension_semantics<core_parallel>, #tpu.dimension_semantics<subcore_parallel>], iteration_bounds = array<i64: 2, 16>, scalar_prefetch = 0 : i64, scratch_operands = 7 : i64, tpu.core_type = #tpu.core_type<sc_vector_subcore>, window_params = [{transform_indices = #map}, {transform_indices = #map}]} {
    %mul3A = arith.constant 2 : i32
    %mul3A_0 = arith.muli %arg1, %mul3A : i32
    %add3A = arith.addi %mul3A_0, %arg0 : i32
    %iota3A = tpu.iota {dimensions = array<i32: 0>} : vector<16xi32>
    %broadcast_in_dim3A = arith.constant -1 : i32
    %broadcast_in_dim3A_1 = vector.broadcast %broadcast_in_dim3A : i32 to vector<16xi32>
    %min3A = arith.constant 14 : i32
    %min3A_2 = vector.broadcast %min3A : i32 to vector<16xi32>
    %min3A_3 = arith.minsi %iota3A, %min3A_2 : vector<16xi32>
    %mul3A_4 = arith.constant 2 : i32
    %mul3A_5 = arith.muli %add3A, %mul3A_4 : i32
    %add3A_6 = arith.constant 0 : i32
    %add3A_7 = arith.addi %mul3A_5, %add3A_6 : i32
    %mul3A_8 = arith.constant 2 : i32
    %mul3A_9 = arith.muli %add3A, %mul3A_8 : i32
    %add3A_10 = arith.constant 1 : i32
    %add3A_11 = arith.addi %mul3A_9, %add3A_10 : i32
    %mul3A_12 = arith.constant 1024 : i32
    %mul3A_13 = vector.broadcast %mul3A_12 : i32 to vector<16xi32>
    %mul3A_14 = arith.muli %min3A_3, %mul3A_13 : vector<16xi32>
    %jit3A = arith.constant 8 : i32
    %div3A = arith.divsi %add3A_7, %jit3A : i32
    %sign3A = arith.constant 0 : i32
    %sign3A_15 = arith.cmpi sgt, %add3A_7, %sign3A : i32
    %sign3A_16 = arith.extui %sign3A_15 : i1 to i32
    %sign3A_17 = arith.constant 0 : i32
    %sign3A_18 = arith.cmpi slt, %add3A_7, %sign3A_17 : i32
    %sign3A_19 = arith.extui %sign3A_18 : i1 to i32
    %sign3A_20 = arith.subi %sign3A_16, %sign3A_19 : i32
    %sign3A_21 = arith.constant 0 : i32
    %sign3A_22 = arith.cmpi sgt, %jit3A, %sign3A_21 : i32
    %sign3A_23 = arith.extui %sign3A_22 : i1 to i32
    %sign3A_24 = arith.constant 0 : i32
    %sign3A_25 = arith.cmpi slt, %jit3A, %sign3A_24 : i32
    %sign3A_26 = arith.extui %sign3A_25 : i1 to i32
    %sign3A_27 = arith.subi %sign3A_23, %sign3A_26 : i32
    %ne3A = arith.cmpi ne, %sign3A_20, %sign3A_27 : i32
    %rem3A = arith.remsi %add3A_7, %jit3A : i32
    %ne3A_28 = arith.constant 0 : i32
    %ne3A_29 = arith.cmpi ne, %rem3A, %ne3A_28 : i32
    %and3A = arith.andi %ne3A, %ne3A_29 : i1
    %sub3A = arith.constant 1 : i32
    %sub3A_30 = arith.subi %div3A, %sub3A : i32
    %select_n3A = arith.select %and3A, %sub3A_30, %div3A : i32
    %mul3A_31 = arith.constant 128 : i32
    %mul3A_32 = arith.muli %select_n3A, %mul3A_31 : i32
    %add3A_33 = vector.broadcast %mul3A_32 : i32 to vector<16xi32>
    %add3A_34 = arith.addi %mul3A_14, %add3A_33 : vector<16xi32>
    %jit3A_35 = arith.constant 8 : i32
    %eq3A = arith.constant 0 : i32
    %eq3A_36 = arith.cmpi eq, %jit3A_35, %eq3A : i32
    %jit3A_37 = arith.constant 1 : i32
    %select_n3A_38 = arith.select %eq3A_36, %jit3A_37, %jit3A_35 : i32
    %rem3A_39 = arith.remsi %add3A_7, %select_n3A_38 : i32
    %ne3A_40 = arith.constant 0 : i32
    %ne3A_41 = arith.cmpi ne, %rem3A_39, %ne3A_40 : i32
    %lt3A = arith.constant 0 : i32
    %lt3A_42 = arith.cmpi slt, %rem3A_39, %lt3A : i32
    %lt3A_43 = arith.constant 0 : i32
    %lt3A_44 = arith.cmpi slt, %select_n3A_38, %lt3A_43 : i32
    %ne3A_45 = arith.xori %lt3A_42, %lt3A_44 : i1
    %and3A_46 = arith.andi %ne3A_45, %ne3A_41 : i1
    %add3A_47 = arith.addi %rem3A_39, %select_n3A_38 : i32
    %select_n3A_48 = arith.select %and3A_46, %add3A_47, %rem3A_39 : i32
    %add3A_49 = vector.broadcast %select_n3A_48 : i32 to vector<16xi32>
    %add3A_50 = arith.addi %add3A_34, %add3A_49 : vector<16xi32>
    %mul3A_51 = arith.constant 1024 : i32
    %mul3A_52 = vector.broadcast %mul3A_51 : i32 to vector<16xi32>
    %mul3A_53 = arith.muli %min3A_3, %mul3A_52 : vector<16xi32>
    %jit3A_54 = arith.constant 8 : i32
    %div3A_55 = arith.divsi %add3A_11, %jit3A_54 : i32
    %sign3A_56 = arith.constant 0 : i32
    %sign3A_57 = arith.cmpi sgt, %add3A_11, %sign3A_56 : i32
    %sign3A_58 = arith.extui %sign3A_57 : i1 to i32
    %sign3A_59 = arith.constant 0 : i32
    %sign3A_60 = arith.cmpi slt, %add3A_11, %sign3A_59 : i32
    %sign3A_61 = arith.extui %sign3A_60 : i1 to i32
    %sign3A_62 = arith.subi %sign3A_58, %sign3A_61 : i32
    %sign3A_63 = arith.constant 0 : i32
    %sign3A_64 = arith.cmpi sgt, %jit3A_54, %sign3A_63 : i32
    %sign3A_65 = arith.extui %sign3A_64 : i1 to i32
    %sign3A_66 = arith.constant 0 : i32
    %sign3A_67 = arith.cmpi slt, %jit3A_54, %sign3A_66 : i32
    %sign3A_68 = arith.extui %sign3A_67 : i1 to i32
    %sign3A_69 = arith.subi %sign3A_65, %sign3A_68 : i32
    %ne3A_70 = arith.cmpi ne, %sign3A_62, %sign3A_69 : i32
    %rem3A_71 = arith.remsi %add3A_11, %jit3A_54 : i32
    %ne3A_72 = arith.constant 0 : i32
    %ne3A_73 = arith.cmpi ne, %rem3A_71, %ne3A_72 : i32
    %and3A_74 = arith.andi %ne3A_70, %ne3A_73 : i1
    %sub3A_75 = arith.constant 1 : i32
    %sub3A_76 = arith.subi %div3A_55, %sub3A_75 : i32
    %select_n3A_77 = arith.select %and3A_74, %sub3A_76, %div3A_55 : i32
    %mul3A_78 = arith.constant 128 : i32
    %mul3A_79 = arith.muli %select_n3A_77, %mul3A_78 : i32
    %add3A_80 = vector.broadcast %mul3A_79 : i32 to vector<16xi32>
    %add3A_81 = arith.addi %mul3A_53, %add3A_80 : vector<16xi32>
    %jit3A_82 = arith.constant 8 : i32
    %eq3A_83 = arith.constant 0 : i32
    %eq3A_84 = arith.cmpi eq, %jit3A_82, %eq3A_83 : i32
    %jit3A_85 = arith.constant 1 : i32
    %select_n3A_86 = arith.select %eq3A_84, %jit3A_85, %jit3A_82 : i32
    %rem3A_87 = arith.remsi %add3A_11, %select_n3A_86 : i32
    %ne3A_88 = arith.constant 0 : i32
    %ne3A_89 = arith.cmpi ne, %rem3A_87, %ne3A_88 : i32
    %lt3A_90 = arith.constant 0 : i32
    %lt3A_91 = arith.cmpi slt, %rem3A_87, %lt3A_90 : i32
    %lt3A_92 = arith.constant 0 : i32
    %lt3A_93 = arith.cmpi slt, %select_n3A_86, %lt3A_92 : i32
    %ne3A_94 = arith.xori %lt3A_91, %lt3A_93 : i1
    %and3A_95 = arith.andi %ne3A_94, %ne3A_89 : i1
    %add3A_96 = arith.addi %rem3A_87, %select_n3A_86 : i32
    %select_n3A_97 = arith.select %and3A_95, %add3A_96, %rem3A_87 : i32
    %add3A_98 = vector.broadcast %select_n3A_97 : i32 to vector<16xi32>
    %add3A_99 = arith.addi %add3A_81, %add3A_98 : vector<16xi32>
    %dma_start3A = arith.constant 0 : i32
    %dma_start3A_100 = arith.constant 0 : i32
    %dma_start3A_101 = tpu.memref_slice %arg2[%dma_start3A, %dma_start3A_100] : memref<15360x128xf32, #tpu.memory_space<hbm>> -> memref<15360x128xf32, #tpu.memory_space<hbm>>
    tpu.enqueue_indirect_dma source(%dma_start3A_101 : memref<15360x128xf32, #tpu.memory_space<hbm>>) target(%arg4 : memref<16x128xf32, #tpu.memory_space<vmem>>) offsets(%add3A_50 : vector<16xi32>) semaphore(%arg8 : memref<!tpu.dma_semaphore, #tpu.memory_space<semaphore_mem>>)
    %dma_start3A_102 = arith.constant 0 : i32
    %dma_start3A_103 = arith.constant 0 : i32
    %dma_start3A_104 = tpu.memref_slice %arg2[%dma_start3A_102, %dma_start3A_103] : memref<15360x128xf32, #tpu.memory_space<hbm>> -> memref<15360x128xf32, #tpu.memory_space<hbm>>
    tpu.enqueue_indirect_dma source(%dma_start3A_104 : memref<15360x128xf32, #tpu.memory_space<hbm>>) target(%arg5 : memref<16x128xf32, #tpu.memory_space<vmem>>) offsets(%add3A_99 : vector<16xi32>) semaphore(%arg9 : memref<!tpu.dma_semaphore, #tpu.memory_space<semaphore_mem>>)
    %swap3A = arith.constant 0 : index
    %swap3A_105 = tpu.vector_load %arg6[%swap3A] {strides = array<i32>} : memref<24xi32, #tpu.memory_space<vmem>>, vector<16xi32>,
    tpu.vector_store %arg6[%swap3A], %broadcast_in_dim3A_1 {strides = array<i32>} : memref<24xi32, #tpu.memory_space<vmem>>, vector<16xi32>,
    %swap3A_106 = arith.constant 8 : index
    %swap3A_107 = tpu.vector_load %arg6[%swap3A_106] {strides = array<i32>} : memref<24xi32, #tpu.memory_space<vmem>>, vector<16xi32>,
    tpu.vector_store %arg6[%swap3A_106], %broadcast_in_dim3A_1 {strides = array<i32>} : memref<24xi32, #tpu.memory_space<vmem>>, vector<16xi32>,
    %swap3A_108 = arith.constant 0 : index
    %swap3A_109 = tpu.vector_load %arg7[%swap3A_108] {strides = array<i32>} : memref<24xi32, #tpu.memory_space<vmem>>, vector<16xi32>,
    tpu.vector_store %arg7[%swap3A_108], %broadcast_in_dim3A_1 {strides = array<i32>} : memref<24xi32, #tpu.memory_space<vmem>>, vector<16xi32>,
    %swap3A_110 = arith.constant 8 : index
    %swap3A_111 = tpu.vector_load %arg7[%swap3A_110] {strides = array<i32>} : memref<24xi32, #tpu.memory_space<vmem>>, vector<16xi32>,
    tpu.vector_store %arg7[%swap3A_110], %broadcast_in_dim3A_1 {strides = array<i32>} : memref<24xi32, #tpu.memory_space<vmem>>, vector<16xi32>,
    %dma_wait3A = arith.constant 0 : i32
    %dma_wait3A_112 = arith.constant 0 : i32
    %dma_wait3A_113 = tpu.memref_slice %arg2[%dma_wait3A, %dma_wait3A_112] : memref<15360x128xf32, #tpu.memory_space<hbm>> -> memref<15360x128xf32, #tpu.memory_space<hbm>>
    tpu.wait_indirect_dma semaphore(%arg8 : memref<!tpu.dma_semaphore, #tpu.memory_space<semaphore_mem>>) src(%dma_wait3A_113 : memref<15360x128xf32, #tpu.memory_space<hbm>>) dst(%arg4 : memref<16x128xf32, #tpu.memory_space<vmem>>)
    %while3A = arith.constant 0 : i32
    %while3A_114 = arith.constant 0 : i32
    %while3A_115:3 = scf.while (%while3A_150 = %while3A, %while3A_151 = %while3A_114, %while3A_152 = %broadcast_in_dim3A_1) : (i32, i32, vector<16xi32>) -> (i32, i32, vector<16xi32>) {
      %lt3A_153 = arith.constant 8 : i32
      %lt3A_154 = arith.cmpi slt, %while3A_150, %lt3A_153 : i32
      %lt3A_155 = arith.constant 20 : i32
      %lt3A_156 = arith.cmpi slt, %while3A_151, %lt3A_155 : i32
      %and3A_157 = arith.andi %lt3A_154, %lt3A_156 : i1
      scf.condition(%and3A_157) %while3A_150, %while3A_151, %while3A_152 : i32, i32, vector<16xi32>
    } do {
    ^bb0(%while3A_150: i32, %while3A_151: i32, %while3A_152: vector<16xi32>):
      %mul3A_153 = arith.constant 16 : i32
      %mul3A_154 = arith.muli %while3A_150, %mul3A_153 : i32
      %get3A = arith.constant 0 : i32
      %get3A_155 = arith.index_cast %get3A : i32 to index
      %get3A_156 = arith.index_cast %mul3A_154 : i32 to index
      %get3A_157 = tpu.vector_load %arg4[%get3A_155, %get3A_156] {strides = array<i32>} : memref<16x128xf32, #tpu.memory_space<vmem>>, vector<16xf32>,
      %broadcast_in_dim3A_158 = arith.constant 0 : i32
      %broadcast_in_dim3A_159 = vector.broadcast %broadcast_in_dim3A_158 : i32 to vector<16xi32>
      %get3A_160 = arith.constant 1 : i32
      %get3A_161 = arith.index_cast %get3A_160 : i32 to index
      %get3A_162 = arith.index_cast %mul3A_154 : i32 to index
      %get3A_163 = tpu.vector_load %arg4[%get3A_161, %get3A_162] {strides = array<i32>} : memref<16x128xf32, #tpu.memory_space<vmem>>, vector<16xf32>,
      %gt3A = arith.cmpf ogt, %get3A_163, %get3A_157 : vector<16xf32>
      %select_n3A_164 = arith.select %gt3A, %get3A_163, %get3A_157 : vector<16xi1>, vector<16xf32>
      %jit3A_165 = arith.constant 1 : i32
      %broadcast_in_dim3A_166 = vector.broadcast %jit3A_165 : i32 to vector<16xi32>
      %select_n3A_167 = arith.select %gt3A, %broadcast_in_dim3A_166, %broadcast_in_dim3A_159 : vector<16xi1>, vector<16xi32>
      %get3A_168 = arith.constant 2 : i32
      %get3A_169 = arith.index_cast %get3A_168 : i32 to index
      %get3A_170 = arith.index_cast %mul3A_154 : i32 to index
      %get3A_171 = tpu.vector_load %arg4[%get3A_169, %get3A_170] {strides = array<i32>} : memref<16x128xf32, #tpu.memory_space<vmem>>, vector<16xf32>,
      %gt3A_172 = arith.cmpf ogt, %get3A_171, %select_n3A_164 : vector<16xf32>
      %select_n3A_173 = arith.select %gt3A_172, %get3A_171, %select_n3A_164 : vector<16xi1>, vector<16xf32>
      %jit3A_174 = arith.constant 2 : i32
      %broadcast_in_dim3A_175 = vector.broadcast %jit3A_174 : i32 to vector<16xi32>
      %select_n3A_176 = arith.select %gt3A_172, %broadcast_in_dim3A_175, %select_n3A_167 : vector<16xi1>, vector<16xi32>
      %get3A_177 = arith.constant 3 : i32
      %get3A_178 = arith.index_cast %get3A_177 : i32 to index
      %get3A_179 = arith.index_cast %mul3A_154 : i32 to index
      %get3A_180 = tpu.vector_load %arg4[%get3A_178, %get3A_179] {strides = array<i32>} : memref<16x128xf32, #tpu.memory_space<vmem>>, vector<16xf32>,
      %gt3A_181 = arith.cmpf ogt, %get3A_180, %select_n3A_173 : vector<16xf32>
      %select_n3A_182 = arith.select %gt3A_181, %get3A_180, %select_n3A_173 : vector<16xi1>, vector<16xf32>
      %jit3A_183 = arith.constant 3 : i32
      %broadcast_in_dim3A_184 = vector.broadcast %jit3A_183 : i32 to vector<16xi32>
      %select_n3A_185 = arith.select %gt3A_181, %broadcast_in_dim3A_184, %select_n3A_176 : vector<16xi1>, vector<16xi32>
      %get3A_186 = arith.constant 4 : i32
      %get3A_187 = arith.index_cast %get3A_186 : i32 to index
      %get3A_188 = arith.index_cast %mul3A_154 : i32 to index
      %get3A_189 = tpu.vector_load %arg4[%get3A_187, %get3A_188] {strides = array<i32>} : memref<16x128xf32, #tpu.memory_space<vmem>>, vector<16xf32>,
      %gt3A_190 = arith.cmpf ogt, %get3A_189, %select_n3A_182 : vector<16xf32>
      %select_n3A_191 = arith.select %gt3A_190, %get3A_189, %select_n3A_182 : vector<16xi1>, vector<16xf32>
      %jit3A_192 = arith.constant 4 : i32
      %broadcast_in_dim3A_193 = vector.broadcast %jit3A_192 : i32 to vector<16xi32>
      %select_n3A_194 = arith.select %gt3A_190, %broadcast_in_dim3A_193, %select_n3A_185 : vector<16xi1>, vector<16xi32>
      %get3A_195 = arith.constant 5 : i32
      %get3A_196 = arith.index_cast %get3A_195 : i32 to index
      %get3A_197 = arith.index_cast %mul3A_154 : i32 to index
      %get3A_198 = tpu.vector_load %arg4[%get3A_196, %get3A_197] {strides = array<i32>} : memref<16x128xf32, #tpu.memory_space<vmem>>, vector<16xf32>,
      %gt3A_199 = arith.cmpf ogt, %get3A_198, %select_n3A_191 : vector<16xf32>
      %select_n3A_200 = arith.select %gt3A_199, %get3A_198, %select_n3A_191 : vector<16xi1>, vector<16xf32>
      %jit3A_201 = arith.constant 5 : i32
      %broadcast_in_dim3A_202 = vector.broadcast %jit3A_201 : i32 to vector<16xi32>
      %select_n3A_203 = arith.select %gt3A_199, %broadcast_in_dim3A_202, %select_n3A_194 : vector<16xi1>, vector<16xi32>
      %get3A_204 = arith.constant 6 : i32
      %get3A_205 = arith.index_cast %get3A_204 : i32 to index
      %get3A_206 = arith.index_cast %mul3A_154 : i32 to index
      %get3A_207 = tpu.vector_load %arg4[%get3A_205, %get3A_206] {strides = array<i32>} : memref<16x128xf32, #tpu.memory_space<vmem>>, vector<16xf32>,
      %gt3A_208 = arith.cmpf ogt, %get3A_207, %select_n3A_200 : vector<16xf32>
      %select_n3A_209 = arith.select %gt3A_208, %get3A_207, %select_n3A_200 : vector<16xi1>, vector<16xf32>
      %jit3A_210 = arith.constant 6 : i32
      %broadcast_in_dim3A_211 = vector.broadcast %jit3A_210 : i32 to vector<16xi32>
      %select_n3A_212 = arith.select %gt3A_208, %broadcast_in_dim3A_211, %select_n3A_203 : vector<16xi1>, vector<16xi32>
      %get3A_213 = arith.constant 7 : i32
      %get3A_214 = arith.index_cast %get3A_213 : i32 to index
      %get3A_215 = arith.index_cast %mul3A_154 : i32 to index
      %get3A_216 = tpu.vector_load %arg4[%get3A_214, %get3A_215] {strides = array<i32>} : memref<16x128xf32, #tpu.memory_space<vmem>>, vector<16xf32>,
      %gt3A_217 = arith.cmpf ogt, %get3A_216, %select_n3A_209 : vector<16xf32>
      %select_n3A_218 = arith.select %gt3A_217, %get3A_216, %select_n3A_209 : vector<16xi1>, vector<16xf32>
      %jit3A_219 = arith.constant 7 : i32
      %broadcast_in_dim3A_220 = vector.broadcast %jit3A_219 : i32 to vector<16xi32>
      %select_n3A_221 = arith.select %gt3A_217, %broadcast_in_dim3A_220, %select_n3A_212 : vector<16xi1>, vector<16xi32>
      %get3A_222 = arith.constant 8 : i32
      %get3A_223 = arith.index_cast %get3A_222 : i32 to index
      %get3A_224 = arith.index_cast %mul3A_154 : i32 to index
      %get3A_225 = tpu.vector_load %arg4[%get3A_223, %get3A_224] {strides = array<i32>} : memref<16x128xf32, #tpu.memory_space<vmem>>, vector<16xf32>,
      %gt3A_226 = arith.cmpf ogt, %get3A_225, %select_n3A_218 : vector<16xf32>
      %select_n3A_227 = arith.select %gt3A_226, %get3A_225, %select_n3A_218 : vector<16xi1>, vector<16xf32>
      %jit3A_228 = arith.constant 8 : i32
      %broadcast_in_dim3A_229 = vector.broadcast %jit3A_228 : i32 to vector<16xi32>
      %select_n3A_230 = arith.select %gt3A_226, %broadcast_in_dim3A_229, %select_n3A_221 : vector<16xi1>, vector<16xi32>
      %get3A_231 = arith.constant 9 : i32
      %get3A_232 = arith.index_cast %get3A_231 : i32 to index
      %get3A_233 = arith.index_cast %mul3A_154 : i32 to index
      %get3A_234 = tpu.vector_load %arg4[%get3A_232, %get3A_233] {strides = array<i32>} : memref<16x128xf32, #tpu.memory_space<vmem>>, vector<16xf32>,
      %gt3A_235 = arith.cmpf ogt, %get3A_234, %select_n3A_227 : vector<16xf32>
      %select_n3A_236 = arith.select %gt3A_235, %get3A_234, %select_n3A_227 : vector<16xi1>, vector<16xf32>
      %jit3A_237 = arith.constant 9 : i32
      %broadcast_in_dim3A_238 = vector.broadcast %jit3A_237 : i32 to vector<16xi32>
      %select_n3A_239 = arith.select %gt3A_235, %broadcast_in_dim3A_238, %select_n3A_230 : vector<16xi1>, vector<16xi32>
      %get3A_240 = arith.constant 10 : i32
      %get3A_241 = arith.index_cast %get3A_240 : i32 to index
      %get3A_242 = arith.index_cast %mul3A_154 : i32 to index
      %get3A_243 = tpu.vector_load %arg4[%get3A_241, %get3A_242] {strides = array<i32>} : memref<16x128xf32, #tpu.memory_space<vmem>>, vector<16xf32>,
      %gt3A_244 = arith.cmpf ogt, %get3A_243, %select_n3A_236 : vector<16xf32>
      %select_n3A_245 = arith.select %gt3A_244, %get3A_243, %select_n3A_236 : vector<16xi1>, vector<16xf32>
      %jit3A_246 = arith.constant 10 : i32
      %broadcast_in_dim3A_247 = vector.broadcast %jit3A_246 : i32 to vector<16xi32>
      %select_n3A_248 = arith.select %gt3A_244, %broadcast_in_dim3A_247, %select_n3A_239 : vector<16xi1>, vector<16xi32>
      %get3A_249 = arith.constant 11 : i32
      %get3A_250 = arith.index_cast %get3A_249 : i32 to index
      %get3A_251 = arith.index_cast %mul3A_154 : i32 to index
      %get3A_252 = tpu.vector_load %arg4[%get3A_250, %get3A_251] {strides = array<i32>} : memref<16x128xf32, #tpu.memory_space<vmem>>, vector<16xf32>,
      %gt3A_253 = arith.cmpf ogt, %get3A_252, %select_n3A_245 : vector<16xf32>
      %select_n3A_254 = arith.select %gt3A_253, %get3A_252, %select_n3A_245 : vector<16xi1>, vector<16xf32>
      %jit3A_255 = arith.constant 11 : i32
      %broadcast_in_dim3A_256 = vector.broadcast %jit3A_255 : i32 to vector<16xi32>
      %select_n3A_257 = arith.select %gt3A_253, %broadcast_in_dim3A_256, %select_n3A_248 : vector<16xi1>, vector<16xi32>
      %get3A_258 = arith.constant 12 : i32
      %get3A_259 = arith.index_cast %get3A_258 : i32 to index
      %get3A_260 = arith.index_cast %mul3A_154 : i32 to index
      %get3A_261 = tpu.vector_load %arg4[%get3A_259, %get3A_260] {strides = array<i32>} : memref<16x128xf32, #tpu.memory_space<vmem>>, vector<16xf32>,
      %gt3A_262 = arith.cmpf ogt, %get3A_261, %select_n3A_254 : vector<16xf32>
      %select_n3A_263 = arith.select %gt3A_262, %get3A_261, %select_n3A_254 : vector<16xi1>, vector<16xf32>
      %jit3A_264 = arith.constant 12 : i32
      %broadcast_in_dim3A_265 = vector.broadcast %jit3A_264 : i32 to vector<16xi32>
      %select_n3A_266 = arith.select %gt3A_262, %broadcast_in_dim3A_265, %select_n3A_257 : vector<16xi1>, vector<16xi32>
      %get3A_267 = arith.constant 13 : i32
      %get3A_268 = arith.index_cast %get3A_267 : i32 to index
      %get3A_269 = arith.index_cast %mul3A_154 : i32 to index
      %get3A_270 = tpu.vector_load %arg4[%get3A_268, %get3A_269] {strides = array<i32>} : memref<16x128xf32, #tpu.memory_space<vmem>>, vector<16xf32>,
      %gt3A_271 = arith.cmpf ogt, %get3A_270, %select_n3A_263 : vector<16xf32>
      %select_n3A_272 = arith.select %gt3A_271, %get3A_270, %select_n3A_263 : vector<16xi1>, vector<16xf32>
      %jit3A_273 = arith.constant 13 : i32
      %broadcast_in_dim3A_274 = vector.broadcast %jit3A_273 : i32 to vector<16xi32>
      %select_n3A_275 = arith.select %gt3A_271, %broadcast_in_dim3A_274, %select_n3A_266 : vector<16xi1>, vector<16xi32>
      %get3A_276 = arith.constant 14 : i32
      %get3A_277 = arith.index_cast %get3A_276 : i32 to index
      %get3A_278 = arith.index_cast %mul3A_154 : i32 to index
      %get3A_279 = tpu.vector_load %arg4[%get3A_277, %get3A_278] {strides = array<i32>} : memref<16x128xf32, #tpu.memory_space<vmem>>, vector<16xf32>,
      %gt3A_280 = arith.cmpf ogt, %get3A_279, %select_n3A_272 : vector<16xf32>
      %select_n3A_281 = arith.select %gt3A_280, %get3A_279, %select_n3A_272 : vector<16xi1>, vector<16xf32>
      %jit3A_282 = arith.constant 14 : i32
      %broadcast_in_dim3A_283 = vector.broadcast %jit3A_282 : i32 to vector<16xi32>
      %select_n3A_284 = arith.select %gt3A_280, %broadcast_in_dim3A_283, %select_n3A_275 : vector<16xi1>, vector<16xi32>
      %sub3A_285 = arith.constant 1 : i32
      %sub3A_286 = vector.broadcast %sub3A_285 : i32 to vector<16xi32>
      %sub3A_287 = arith.subi %iota3A, %sub3A_286 : vector<16xi32>
      %max3A = arith.constant 0 : i32
      %max3A_288 = vector.broadcast %max3A : i32 to vector<16xi32>
      %max3A_289 = arith.maxsi %sub3A_287, %max3A_288 : vector<16xi32>
      %lt3A_290 = arith.constant 0 : i32
      %lt3A_291 = vector.broadcast %lt3A_290 : i32 to vector<16xi32>
      %lt3A_292 = arith.cmpi slt, %max3A_289, %lt3A_291 : vector<16xi32>
      %add3A_293 = arith.constant 16 : i32
      %add3A_294 = vector.broadcast %add3A_293 : i32 to vector<16xi32>
      %add3A_295 = arith.addi %max3A_289, %add3A_294 : vector<16xi32>
      %select_n3A_296 = arith.select %lt3A_292, %add3A_295, %max3A_289 : vector<16xi1>, vector<16xi32>
      %reshape3A = vector.shape_cast %select_n3A_296 : vector<16xi32> to vector<16x1xi32>
      %gather3A = vector.shape_cast %reshape3A : vector<16x1xi32> to vector<16xi32>
      %gather3A_297 = tpu.dynamic_gather %select_n3A_284[%gather3A] in [0] : vector<16xi32>, vector<16xi32> -> vector<16xi32>
      %eq3A_298 = arith.constant 0 : i32
      %eq3A_299 = vector.broadcast %eq3A_298 : i32 to vector<16xi32>
      %eq3A_300 = arith.cmpi eq, %iota3A, %eq3A_299 : vector<16xi32>
      %select_n3A_301 = arith.select %eq3A_300, %while3A_152, %gather3A_297 : vector<16xi1>, vector<16xi32>
      %ne3A_302 = arith.cmpi ne, %select_n3A_284, %select_n3A_301 : vector<16xi32>
      %ne3A_303 = arith.constant 14 : i32
      %ne3A_304 = vector.broadcast %ne3A_303 : i32 to vector<16xi32>
      %ne3A_305 = arith.cmpi ne, %select_n3A_284, %ne3A_304 : vector<16xi32>
      %and3A_306 = arith.andi %ne3A_302, %ne3A_305 : vector<16xi1>
      %jit3A_307 = arith.constant 1 : i32
      %jit3A_308 = arith.constant 0 : i32
      %broadcast_in_dim3A_309 = vector.broadcast %jit3A_307 : i32 to vector<16xi32>
      %broadcast_in_dim3A_310 = vector.broadcast %jit3A_308 : i32 to vector<16xi32>
      %select_n3A_311 = arith.select %and3A_306, %broadcast_in_dim3A_309, %broadcast_in_dim3A_310 : vector<16xi1>, vector<16xi32>
      %broadcast_in_dim3A_312 = arith.constant true
      %broadcast_in_dim3A_313 = vector.broadcast %broadcast_in_dim3A_312 : i1 to vector<16xi1>
      %masked_cumsum3A = tpu.scan <sum>, %select_n3A_311 masked %broadcast_in_dim3A_313 : vector<16xi32>, vector<16xi1> -> vector<16xi32>
      %add3A_314 = vector.broadcast %while3A_151 : i32 to vector<16xi32>
      %add3A_315 = arith.addi %add3A_314, %masked_cumsum3A : vector<16xi32>
      %sub3A_316 = arith.constant 1 : i32
      %sub3A_317 = vector.broadcast %sub3A_316 : i32 to vector<16xi32>
      %sub3A_318 = arith.subi %add3A_315, %sub3A_317 : vector<16xi32>
      %lt3A_319 = arith.constant 20 : i32
      %lt3A_320 = vector.broadcast %lt3A_319 : i32 to vector<16xi32>
      %lt3A_321 = arith.cmpi slt, %sub3A_318, %lt3A_320 : vector<16xi32>
      %and3A_322 = arith.andi %and3A_306, %lt3A_321 : vector<16xi1>
      %min3A_323 = arith.constant 20 : i32
      %min3A_324 = vector.broadcast %min3A_323 : i32 to vector<16xi32>
      %min3A_325 = arith.minsi %sub3A_318, %min3A_324 : vector<16xi32>
      tpu.vector_store_idx %arg6[%min3A_325], %select_n3A_284 masked %and3A_322 : memref<24xi32, #tpu.memory_space<vmem>>[vector<16xi32>], vector<16xi32>, vector<16xi1>
      %slice3A = vector.extract_strided_slice %masked_cumsum3A {offsets = [15], sizes = [1], strides = [1]} : vector<16xi32> to vector<1xi32>
      %squeeze3A = vector.extract %slice3A[0] : i32 from vector<1xi32>
      %add3A_326 = arith.addi %while3A_151, %squeeze3A : i32
      %broadcast_in_dim3A_327 = arith.constant 15 : i32
      %broadcast_in_dim3A_328 = vector.broadcast %broadcast_in_dim3A_327 : i32 to vector<16xi32>
      %lt3A_329 = arith.constant 0 : i32
      %lt3A_330 = vector.broadcast %lt3A_329 : i32 to vector<16xi32>
      %lt3A_331 = arith.cmpi slt, %broadcast_in_dim3A_328, %lt3A_330 : vector<16xi32>
      %add3A_332 = arith.constant 16 : i32
      %add3A_333 = vector.broadcast %add3A_332 : i32 to vector<16xi32>
      %add3A_334 = arith.addi %broadcast_in_dim3A_328, %add3A_333 : vector<16xi32>
      %select_n3A_335 = arith.select %lt3A_331, %add3A_334, %broadcast_in_dim3A_328 : vector<16xi1>, vector<16xi32>
      %reshape3A_336 = vector.shape_cast %select_n3A_335 : vector<16xi32> to vector<16x1xi32>
      %gather3A_337 = vector.shape_cast %reshape3A_336 : vector<16x1xi32> to vector<16xi32>
      %gather3A_338 = tpu.dynamic_gather %select_n3A_284[%gather3A_337] in [0] : vector<16xi32>, vector<16xi32> -> vector<16xi32>
      %add3A_339 = arith.constant 1 : i32
      %add3A_340 = arith.addi %while3A_150, %add3A_339 : i32
      scf.yield %add3A_340, %add3A_326, %gather3A_338 : i32, i32, vector<16xi32>
    }
    %while3A_116 = arith.constant 1 : i32
    %while3A_117:3 = scf.while (%while3A_150 = %while3A_116, %while3A_151 = %while3A_115#1, %while3A_152 = %while3A_115#2) : (i32, i32, vector<16xi32>) -> (i32, i32, vector<16xi32>) {
      %lt3A_153 = arith.constant 16 : i32
      %lt3A_154 = arith.cmpi slt, %while3A_150, %lt3A_153 : i32
      %lt3A_155 = arith.constant 20 : i32
      %lt3A_156 = arith.cmpi slt, %while3A_151, %lt3A_155 : i32
      %and3A_157 = arith.andi %lt3A_154, %lt3A_156 : i1
      scf.condition(%and3A_157) %while3A_150, %while3A_151, %while3A_152 : i32, i32, vector<16xi32>
    } do {
    ^bb0(%while3A_150: i32, %while3A_151: i32, %while3A_152: vector<16xi32>):
      %mul3A_153 = arith.constant 8 : i32
      %mul3A_154 = arith.muli %while3A_150, %mul3A_153 : i32
      %add3A_155 = vector.broadcast %mul3A_154 : i32 to vector<16xi32>
      %add3A_156 = arith.addi %add3A_50, %add3A_155 : vector<16xi32>
      %dma_start3A_157 = arith.constant 0 : i32
      %dma_start3A_158 = arith.constant 0 : i32
      %dma_start3A_159 = tpu.memref_slice %arg2[%dma_start3A_157, %dma_start3A_158] : memref<15360x128xf32, #tpu.memory_space<hbm>> -> memref<15360x128xf32, #tpu.memory_space<hbm>>
      tpu.enqueue_indirect_dma source(%dma_start3A_159 : memref<15360x128xf32, #tpu.memory_space<hbm>>) target(%arg4 : memref<16x128xf32, #tpu.memory_space<vmem>>) offsets(%add3A_156 : vector<16xi32>) semaphore(%arg8 : memref<!tpu.dma_semaphore, #tpu.memory_space<semaphore_mem>>)
      %dma_wait3A_160 = arith.constant 0 : i32
      %dma_wait3A_161 = arith.constant 0 : i32
      %dma_wait3A_162 = tpu.memref_slice %arg2[%dma_wait3A_160, %dma_wait3A_161] : memref<15360x128xf32, #tpu.memory_space<hbm>> -> memref<15360x128xf32, #tpu.memory_space<hbm>>
      tpu.wait_indirect_dma semaphore(%arg8 : memref<!tpu.dma_semaphore, #tpu.memory_space<semaphore_mem>>) src(%dma_wait3A_162 : memref<15360x128xf32, #tpu.memory_space<hbm>>) dst(%arg4 : memref<16x128xf32, #tpu.memory_space<vmem>>)
      %while3A_163 = arith.constant 0 : i32
      %while3A_164:3 = scf.while (%while3A_167 = %while3A_163, %while3A_168 = %while3A_151, %while3A_169 = %while3A_152) : (i32, i32, vector<16xi32>) -> (i32, i32, vector<16xi32>) {
        %lt3A_170 = arith.constant 8 : i32
        %lt3A_171 = arith.cmpi slt, %while3A_167, %lt3A_170 : i32
        %lt3A_172 = arith.constant 20 : i32
        %lt3A_173 = arith.cmpi slt, %while3A_168, %lt3A_172 : i32
        %and3A_174 = arith.andi %lt3A_171, %lt3A_173 : i1
        scf.condition(%and3A_174) %while3A_167, %while3A_168, %while3A_169 : i32, i32, vector<16xi32>
      } do {
      ^bb0(%while3A_167: i32, %while3A_168: i32, %while3A_169: vector<16xi32>):
        %mul3A_170 = arith.constant 16 : i32
        %mul3A_171 = arith.muli %while3A_167, %mul3A_170 : i32
        %get3A = arith.constant 0 : i32
        %get3A_172 = arith.index_cast %get3A : i32 to index
        %get3A_173 = arith.index_cast %mul3A_171 : i32 to index
        %get3A_174 = tpu.vector_load %arg4[%get3A_172, %get3A_173] {strides = array<i32>} : memref<16x128xf32, #tpu.memory_space<vmem>>, vector<16xf32>,
        %broadcast_in_dim3A_175 = arith.constant 0 : i32
        %broadcast_in_dim3A_176 = vector.broadcast %broadcast_in_dim3A_175 : i32 to vector<16xi32>
        %get3A_177 = arith.constant 1 : i32
        %get3A_178 = arith.index_cast %get3A_177 : i32 to index
        %get3A_179 = arith.index_cast %mul3A_171 : i32 to index
        %get3A_180 = tpu.vector_load %arg4[%get3A_178, %get3A_179] {strides = array<i32>} : memref<16x128xf32, #tpu.memory_space<vmem>>, vector<16xf32>,
        %gt3A = arith.cmpf ogt, %get3A_180, %get3A_174 : vector<16xf32>
        %select_n3A_181 = arith.select %gt3A, %get3A_180, %get3A_174 : vector<16xi1>, vector<16xf32>
        %jit3A_182 = arith.constant 1 : i32
        %broadcast_in_dim3A_183 = vector.broadcast %jit3A_182 : i32 to vector<16xi32>
        %select_n3A_184 = arith.select %gt3A, %broadcast_in_dim3A_183, %broadcast_in_dim3A_176 : vector<16xi1>, vector<16xi32>
        %get3A_185 = arith.constant 2 : i32
        %get3A_186 = arith.index_cast %get3A_185 : i32 to index
        %get3A_187 = arith.index_cast %mul3A_171 : i32 to index
        %get3A_188 = tpu.vector_load %arg4[%get3A_186, %get3A_187] {strides = array<i32>} : memref<16x128xf32, #tpu.memory_space<vmem>>, vector<16xf32>,
        %gt3A_189 = arith.cmpf ogt, %get3A_188, %select_n3A_181 : vector<16xf32>
        %select_n3A_190 = arith.select %gt3A_189, %get3A_188, %select_n3A_181 : vector<16xi1>, vector<16xf32>
        %jit3A_191 = arith.constant 2 : i32
        %broadcast_in_dim3A_192 = vector.broadcast %jit3A_191 : i32 to vector<16xi32>
        %select_n3A_193 = arith.select %gt3A_189, %broadcast_in_dim3A_192, %select_n3A_184 : vector<16xi1>, vector<16xi32>
        %get3A_194 = arith.constant 3 : i32
        %get3A_195 = arith.index_cast %get3A_194 : i32 to index
        %get3A_196 = arith.index_cast %mul3A_171 : i32 to index
        %get3A_197 = tpu.vector_load %arg4[%get3A_195, %get3A_196] {strides = array<i32>} : memref<16x128xf32, #tpu.memory_space<vmem>>, vector<16xf32>,
        %gt3A_198 = arith.cmpf ogt, %get3A_197, %select_n3A_190 : vector<16xf32>
        %select_n3A_199 = arith.select %gt3A_198, %get3A_197, %select_n3A_190 : vector<16xi1>, vector<16xf32>
        %jit3A_200 = arith.constant 3 : i32
        %broadcast_in_dim3A_201 = vector.broadcast %jit3A_200 : i32 to vector<16xi32>
        %select_n3A_202 = arith.select %gt3A_198, %broadcast_in_dim3A_201, %select_n3A_193 : vector<16xi1>, vector<16xi32>
        %get3A_203 = arith.constant 4 : i32
        %get3A_204 = arith.index_cast %get3A_203 : i32 to index
        %get3A_205 = arith.index_cast %mul3A_171 : i32 to index
        %get3A_206 = tpu.vector_load %arg4[%get3A_204, %get3A_205] {strides = array<i32>} : memref<16x128xf32, #tpu.memory_space<vmem>>, vector<16xf32>,
        %gt3A_207 = arith.cmpf ogt, %get3A_206, %select_n3A_199 : vector<16xf32>
        %select_n3A_208 = arith.select %gt3A_207, %get3A_206, %select_n3A_199 : vector<16xi1>, vector<16xf32>
        %jit3A_209 = arith.constant 4 : i32
        %broadcast_in_dim3A_210 = vector.broadcast %jit3A_209 : i32 to vector<16xi32>
        %select_n3A_211 = arith.select %gt3A_207, %broadcast_in_dim3A_210, %select_n3A_202 : vector<16xi1>, vector<16xi32>
        %get3A_212 = arith.constant 5 : i32
        %get3A_213 = arith.index_cast %get3A_212 : i32 to index
        %get3A_214 = arith.index_cast %mul3A_171 : i32 to index
        %get3A_215 = tpu.vector_load %arg4[%get3A_213, %get3A_214] {strides = array<i32>} : memref<16x128xf32, #tpu.memory_space<vmem>>, vector<16xf32>,
        %gt3A_216 = arith.cmpf ogt, %get3A_215, %select_n3A_208 : vector<16xf32>
        %select_n3A_217 = arith.select %gt3A_216, %get3A_215, %select_n3A_208 : vector<16xi1>, vector<16xf32>
        %jit3A_218 = arith.constant 5 : i32
        %broadcast_in_dim3A_219 = vector.broadcast %jit3A_218 : i32 to vector<16xi32>
        %select_n3A_220 = arith.select %gt3A_216, %broadcast_in_dim3A_219, %select_n3A_211 : vector<16xi1>, vector<16xi32>
        %get3A_221 = arith.constant 6 : i32
        %get3A_222 = arith.index_cast %get3A_221 : i32 to index
        %get3A_223 = arith.index_cast %mul3A_171 : i32 to index
        %get3A_224 = tpu.vector_load %arg4[%get3A_222, %get3A_223] {strides = array<i32>} : memref<16x128xf32, #tpu.memory_space<vmem>>, vector<16xf32>,
        %gt3A_225 = arith.cmpf ogt, %get3A_224, %select_n3A_217 : vector<16xf32>
        %select_n3A_226 = arith.select %gt3A_225, %get3A_224, %select_n3A_217 : vector<16xi1>, vector<16xf32>
        %jit3A_227 = arith.constant 6 : i32
        %broadcast_in_dim3A_228 = vector.broadcast %jit3A_227 : i32 to vector<16xi32>
        %select_n3A_229 = arith.select %gt3A_225, %broadcast_in_dim3A_228, %select_n3A_220 : vector<16xi1>, vector<16xi32>
        %get3A_230 = arith.constant 7 : i32
        %get3A_231 = arith.index_cast %get3A_230 : i32 to index
        %get3A_232 = arith.index_cast %mul3A_171 : i32 to index
        %get3A_233 = tpu.vector_load %arg4[%get3A_231, %get3A_232] {strides = array<i32>} : memref<16x128xf32, #tpu.memory_space<vmem>>, vector<16xf32>,
        %gt3A_234 = arith.cmpf ogt, %get3A_233, %select_n3A_226 : vector<16xf32>
        %select_n3A_235 = arith.select %gt3A_234, %get3A_233, %select_n3A_226 : vector<16xi1>, vector<16xf32>
        %jit3A_236 = arith.constant 7 : i32
        %broadcast_in_dim3A_237 = vector.broadcast %jit3A_236 : i32 to vector<16xi32>
        %select_n3A_238 = arith.select %gt3A_234, %broadcast_in_dim3A_237, %select_n3A_229 : vector<16xi1>, vector<16xi32>
        %get3A_239 = arith.constant 8 : i32
        %get3A_240 = arith.index_cast %get3A_239 : i32 to index
        %get3A_241 = arith.index_cast %mul3A_171 : i32 to index
        %get3A_242 = tpu.vector_load %arg4[%get3A_240, %get3A_241] {strides = array<i32>} : memref<16x128xf32, #tpu.memory_space<vmem>>, vector<16xf32>,
        %gt3A_243 = arith.cmpf ogt, %get3A_242, %select_n3A_235 : vector<16xf32>
        %select_n3A_244 = arith.select %gt3A_243, %get3A_242, %select_n3A_235 : vector<16xi1>, vector<16xf32>
        %jit3A_245 = arith.constant 8 : i32
        %broadcast_in_dim3A_246 = vector.broadcast %jit3A_245 : i32 to vector<16xi32>
        %select_n3A_247 = arith.select %gt3A_243, %broadcast_in_dim3A_246, %select_n3A_238 : vector<16xi1>, vector<16xi32>
        %get3A_248 = arith.constant 9 : i32
        %get3A_249 = arith.index_cast %get3A_248 : i32 to index
        %get3A_250 = arith.index_cast %mul3A_171 : i32 to index
        %get3A_251 = tpu.vector_load %arg4[%get3A_249, %get3A_250] {strides = array<i32>} : memref<16x128xf32, #tpu.memory_space<vmem>>, vector<16xf32>,
        %gt3A_252 = arith.cmpf ogt, %get3A_251, %select_n3A_244 : vector<16xf32>
        %select_n3A_253 = arith.select %gt3A_252, %get3A_251, %select_n3A_244 : vector<16xi1>, vector<16xf32>
        %jit3A_254 = arith.constant 9 : i32
        %broadcast_in_dim3A_255 = vector.broadcast %jit3A_254 : i32 to vector<16xi32>
        %select_n3A_256 = arith.select %gt3A_252, %broadcast_in_dim3A_255, %select_n3A_247 : vector<16xi1>, vector<16xi32>
        %get3A_257 = arith.constant 10 : i32
        %get3A_258 = arith.index_cast %get3A_257 : i32 to index
        %get3A_259 = arith.index_cast %mul3A_171 : i32 to index
        %get3A_260 = tpu.vector_load %arg4[%get3A_258, %get3A_259] {strides = array<i32>} : memref<16x128xf32, #tpu.memory_space<vmem>>, vector<16xf32>,
        %gt3A_261 = arith.cmpf ogt, %get3A_260, %select_n3A_253 : vector<16xf32>
        %select_n3A_262 = arith.select %gt3A_261, %get3A_260, %select_n3A_253 : vector<16xi1>, vector<16xf32>
        %jit3A_263 = arith.constant 10 : i32
        %broadcast_in_dim3A_264 = vector.broadcast %jit3A_263 : i32 to vector<16xi32>
        %select_n3A_265 = arith.select %gt3A_261, %broadcast_in_dim3A_264, %select_n3A_256 : vector<16xi1>, vector<16xi32>
        %get3A_266 = arith.constant 11 : i32
        %get3A_267 = arith.index_cast %get3A_266 : i32 to index
        %get3A_268 = arith.index_cast %mul3A_171 : i32 to index
        %get3A_269 = tpu.vector_load %arg4[%get3A_267, %get3A_268] {strides = array<i32>} : memref<16x128xf32, #tpu.memory_space<vmem>>, vector<16xf32>,
        %gt3A_270 = arith.cmpf ogt, %get3A_269, %select_n3A_262 : vector<16xf32>
        %select_n3A_271 = arith.select %gt3A_270, %get3A_269, %select_n3A_262 : vector<16xi1>, vector<16xf32>
        %jit3A_272 = arith.constant 11 : i32
        %broadcast_in_dim3A_273 = vector.broadcast %jit3A_272 : i32 to vector<16xi32>
        %select_n3A_274 = arith.select %gt3A_270, %broadcast_in_dim3A_273, %select_n3A_265 : vector<16xi1>, vector<16xi32>
        %get3A_275 = arith.constant 12 : i32
        %get3A_276 = arith.index_cast %get3A_275 : i32 to index
        %get3A_277 = arith.index_cast %mul3A_171 : i32 to index
        %get3A_278 = tpu.vector_load %arg4[%get3A_276, %get3A_277] {strides = array<i32>} : memref<16x128xf32, #tpu.memory_space<vmem>>, vector<16xf32>,
        %gt3A_279 = arith.cmpf ogt, %get3A_278, %select_n3A_271 : vector<16xf32>
        %select_n3A_280 = arith.select %gt3A_279, %get3A_278, %select_n3A_271 : vector<16xi1>, vector<16xf32>
        %jit3A_281 = arith.constant 12 : i32
        %broadcast_in_dim3A_282 = vector.broadcast %jit3A_281 : i32 to vector<16xi32>
        %select_n3A_283 = arith.select %gt3A_279, %broadcast_in_dim3A_282, %select_n3A_274 : vector<16xi1>, vector<16xi32>
        %get3A_284 = arith.constant 13 : i32
        %get3A_285 = arith.index_cast %get3A_284 : i32 to index
        %get3A_286 = arith.index_cast %mul3A_171 : i32 to index
        %get3A_287 = tpu.vector_load %arg4[%get3A_285, %get3A_286] {strides = array<i32>} : memref<16x128xf32, #tpu.memory_space<vmem>>, vector<16xf32>,
        %gt3A_288 = arith.cmpf ogt, %get3A_287, %select_n3A_280 : vector<16xf32>
        %select_n3A_289 = arith.select %gt3A_288, %get3A_287, %select_n3A_280 : vector<16xi1>, vector<16xf32>
        %jit3A_290 = arith.constant 13 : i32
        %broadcast_in_dim3A_291 = vector.broadcast %jit3A_290 : i32 to vector<16xi32>
        %select_n3A_292 = arith.select %gt3A_288, %broadcast_in_dim3A_291, %select_n3A_283 : vector<16xi1>, vector<16xi32>
        %get3A_293 = arith.constant 14 : i32
        %get3A_294 = arith.index_cast %get3A_293 : i32 to index
        %get3A_295 = arith.index_cast %mul3A_171 : i32 to index
        %get3A_296 = tpu.vector_load %arg4[%get3A_294, %get3A_295] {strides = array<i32>} : memref<16x128xf32, #tpu.memory_space<vmem>>, vector<16xf32>,
        %gt3A_297 = arith.cmpf ogt, %get3A_296, %select_n3A_289 : vector<16xf32>
        %select_n3A_298 = arith.select %gt3A_297, %get3A_296, %select_n3A_289 : vector<16xi1>, vector<16xf32>
        %jit3A_299 = arith.constant 14 : i32
        %broadcast_in_dim3A_300 = vector.broadcast %jit3A_299 : i32 to vector<16xi32>
        %select_n3A_301 = arith.select %gt3A_297, %broadcast_in_dim3A_300, %select_n3A_292 : vector<16xi1>, vector<16xi32>
        %sub3A_302 = arith.constant 1 : i32
        %sub3A_303 = vector.broadcast %sub3A_302 : i32 to vector<16xi32>
        %sub3A_304 = arith.subi %iota3A, %sub3A_303 : vector<16xi32>
        %max3A = arith.constant 0 : i32
        %max3A_305 = vector.broadcast %max3A : i32 to vector<16xi32>
        %max3A_306 = arith.maxsi %sub3A_304, %max3A_305 : vector<16xi32>
        %lt3A_307 = arith.constant 0 : i32
        %lt3A_308 = vector.broadcast %lt3A_307 : i32 to vector<16xi32>
        %lt3A_309 = arith.cmpi slt, %max3A_306, %lt3A_308 : vector<16xi32>
        %add3A_310 = arith.constant 16 : i32
        %add3A_311 = vector.broadcast %add3A_310 : i32 to vector<16xi32>
        %add3A_312 = arith.addi %max3A_306, %add3A_311 : vector<16xi32>
        %select_n3A_313 = arith.select %lt3A_309, %add3A_312, %max3A_306 : vector<16xi1>, vector<16xi32>
        %reshape3A = vector.shape_cast %select_n3A_313 : vector<16xi32> to vector<16x1xi32>
        %gather3A = vector.shape_cast %reshape3A : vector<16x1xi32> to vector<16xi32>
        %gather3A_314 = tpu.dynamic_gather %select_n3A_301[%gather3A] in [0] : vector<16xi32>, vector<16xi32> -> vector<16xi32>
        %eq3A_315 = arith.constant 0 : i32
        %eq3A_316 = vector.broadcast %eq3A_315 : i32 to vector<16xi32>
        %eq3A_317 = arith.cmpi eq, %iota3A, %eq3A_316 : vector<16xi32>
        %select_n3A_318 = arith.select %eq3A_317, %while3A_169, %gather3A_314 : vector<16xi1>, vector<16xi32>
        %ne3A_319 = arith.cmpi ne, %select_n3A_301, %select_n3A_318 : vector<16xi32>
        %ne3A_320 = arith.constant 14 : i32
        %ne3A_321 = vector.broadcast %ne3A_320 : i32 to vector<16xi32>
        %ne3A_322 = arith.cmpi ne, %select_n3A_301, %ne3A_321 : vector<16xi32>
        %and3A_323 = arith.andi %ne3A_319, %ne3A_322 : vector<16xi1>
        %jit3A_324 = arith.constant 1 : i32
        %jit3A_325 = arith.constant 0 : i32
        %broadcast_in_dim3A_326 = vector.broadcast %jit3A_324 : i32 to vector<16xi32>
        %broadcast_in_dim3A_327 = vector.broadcast %jit3A_325 : i32 to vector<16xi32>
        %select_n3A_328 = arith.select %and3A_323, %broadcast_in_dim3A_326, %broadcast_in_dim3A_327 : vector<16xi1>, vector<16xi32>
        %broadcast_in_dim3A_329 = arith.constant true
        %broadcast_in_dim3A_330 = vector.broadcast %broadcast_in_dim3A_329 : i1 to vector<16xi1>
        %masked_cumsum3A = tpu.scan <sum>, %select_n3A_328 masked %broadcast_in_dim3A_330 : vector<16xi32>, vector<16xi1> -> vector<16xi32>
        %add3A_331 = vector.broadcast %while3A_168 : i32 to vector<16xi32>
        %add3A_332 = arith.addi %add3A_331, %masked_cumsum3A : vector<16xi32>
        %sub3A_333 = arith.constant 1 : i32
        %sub3A_334 = vector.broadcast %sub3A_333 : i32 to vector<16xi32>
        %sub3A_335 = arith.subi %add3A_332, %sub3A_334 : vector<16xi32>
        %lt3A_336 = arith.constant 20 : i32
        %lt3A_337 = vector.broadcast %lt3A_336 : i32 to vector<16xi32>
        %lt3A_338 = arith.cmpi slt, %sub3A_335, %lt3A_337 : vector<16xi32>
        %and3A_339 = arith.andi %and3A_323, %lt3A_338 : vector<16xi1>
        %min3A_340 = arith.constant 20 : i32
        %min3A_341 = vector.broadcast %min3A_340 : i32 to vector<16xi32>
        %min3A_342 = arith.minsi %sub3A_335, %min3A_341 : vector<16xi32>
        tpu.vector_store_idx %arg6[%min3A_342], %select_n3A_301 masked %and3A_339 : memref<24xi32, #tpu.memory_space<vmem>>[vector<16xi32>], vector<16xi32>, vector<16xi1>
        %slice3A = vector.extract_strided_slice %masked_cumsum3A {offsets = [15], sizes = [1], strides = [1]} : vector<16xi32> to vector<1xi32>
        %squeeze3A = vector.extract %slice3A[0] : i32 from vector<1xi32>
        %add3A_343 = arith.addi %while3A_168, %squeeze3A : i32
        %broadcast_in_dim3A_344 = arith.constant 15 : i32
        %broadcast_in_dim3A_345 = vector.broadcast %broadcast_in_dim3A_344 : i32 to vector<16xi32>
        %lt3A_346 = arith.constant 0 : i32
        %lt3A_347 = vector.broadcast %lt3A_346 : i32 to vector<16xi32>
        %lt3A_348 = arith.cmpi slt, %broadcast_in_dim3A_345, %lt3A_347 : vector<16xi32>
        %add3A_349 = arith.constant 16 : i32
        %add3A_350 = vector.broadcast %add3A_349 : i32 to vector<16xi32>
        %add3A_351 = arith.addi %broadcast_in_dim3A_345, %add3A_350 : vector<16xi32>
        %select_n3A_352 = arith.select %lt3A_348, %add3A_351, %broadcast_in_dim3A_345 : vector<16xi1>, vector<16xi32>
        %reshape3A_353 = vector.shape_cast %select_n3A_352 : vector<16xi32> to vector<16x1xi32>
        %gather3A_354 = vector.shape_cast %reshape3A_353 : vector<16x1xi32> to vector<16xi32>
        %gather3A_355 = tpu.dynamic_gather %select_n3A_301[%gather3A_354] in [0] : vector<16xi32>, vector<16xi32> -> vector<16xi32>
        %add3A_356 = arith.constant 1 : i32
        %add3A_357 = arith.addi %while3A_167, %add3A_356 : i32
        scf.yield %add3A_357, %add3A_343, %gather3A_355 : i32, i32, vector<16xi32>
      }
      %add3A_165 = arith.constant 1 : i32
      %add3A_166 = arith.addi %while3A_150, %add3A_165 : i32
      scf.yield %add3A_166, %while3A_164#1, %while3A_164#2 : i32, i32, vector<16xi32>
    }
    %dma_start3A_118 = arith.constant 0 : i32
    %dma_start3A_119 = tpu.memref_slice %arg3[%add3A_7, %dma_start3A_118] : memref<64x24xi32, #tpu.memory_space<hbm>> -> memref<1x24xi32, #tpu.memory_space<hbm>>
    %dma_start3A_120 = tpu.memref_squeeze %dma_start3A_119 : memref<1x24xi32, #tpu.memory_space<hbm>> -> memref<24xi32, #tpu.memory_space<hbm>>
    %dma_start3A_121 = arith.constant 0 : i32
    %dma_start3A_122 = tpu.memref_slice %arg3[%add3A_7, %dma_start3A_121] : memref<64x24xi32, #tpu.memory_space<hbm>> -> memref<1x24xi32, #tpu.memory_space<hbm>>
    %dma_start3A_123 = tpu.memref_squeeze %dma_start3A_122 : memref<1x24xi32, #tpu.memory_space<hbm>> -> memref<24xi32, #tpu.memory_space<hbm>>
    tpu.enqueue_dma source(%arg6 : memref<24xi32, #tpu.memory_space<vmem>>) target(%dma_start3A_123 : memref<24xi32, #tpu.memory_space<hbm>>) target_semaphore(%arg10 : memref<!tpu.dma_semaphore, #tpu.memory_space<semaphore_mem>>)
    %dma_wait3A_124 = arith.constant 0 : i32
    %dma_wait3A_125 = arith.constant 0 : i32
    %dma_wait3A_126 = tpu.memref_slice %arg2[%dma_wait3A_124, %dma_wait3A_125] : memref<15360x128xf32, #tpu.memory_space<hbm>> -> memref<15360x128xf32, #tpu.memory_space<hbm>>
    tpu.wait_indirect_dma semaphore(%arg9 : memref<!tpu.dma_semaphore, #tpu.memory_space<semaphore_mem>>) src(%dma_wait3A_126 : memref<15360x128xf32, #tpu.memory_space<hbm>>) dst(%arg5 : memref<16x128xf32, #tpu.memory_space<vmem>>)
    %while3A_127 = arith.constant 0 : i32
    %while3A_128 = arith.constant 0 : i32
    %while3A_129:3 = scf.while (%while3A_150 = %while3A_127, %while3A_151 = %while3A_128, %while3A_152 = %broadcast_in_dim3A_1) : (i32, i32, vector<16xi32>) -> (i32, i32, vector<16xi32>) {
      %lt3A_153 = arith.constant 8 : i32
      %lt3A_154 = arith.cmpi slt, %while3A_150, %lt3A_153 : i32
      %lt3A_155 = arith.constant 20 : i32
      %lt3A_156 = arith.cmpi slt, %while3A_151, %lt3A_155 : i32
      %and3A_157 = arith.andi %lt3A_154, %lt3A_156 : i1
      scf.condition(%and3A_157) %while3A_150, %while3A_151, %while3A_152 : i32, i32, vector<16xi32>
    } do {
    ^bb0(%while3A_150: i32, %while3A_151: i32, %while3A_152: vector<16xi32>):
      %mul3A_153 = arith.constant 16 : i32
      %mul3A_154 = arith.muli %while3A_150, %mul3A_153 : i32
      %get3A = arith.constant 0 : i32
      %get3A_155 = arith.index_cast %get3A : i32 to index
      %get3A_156 = arith.index_cast %mul3A_154 : i32 to index
      %get3A_157 = tpu.vector_load %arg5[%get3A_155, %get3A_156] {strides = array<i32>} : memref<16x128xf32, #tpu.memory_space<vmem>>, vector<16xf32>,
      %broadcast_in_dim3A_158 = arith.constant 0 : i32
      %broadcast_in_dim3A_159 = vector.broadcast %broadcast_in_dim3A_158 : i32 to vector<16xi32>
      %get3A_160 = arith.constant 1 : i32
      %get3A_161 = arith.index_cast %get3A_160 : i32 to index
      %get3A_162 = arith.index_cast %mul3A_154 : i32 to index
      %get3A_163 = tpu.vector_load %arg5[%get3A_161, %get3A_162] {strides = array<i32>} : memref<16x128xf32, #tpu.memory_space<vmem>>, vector<16xf32>,
      %gt3A = arith.cmpf ogt, %get3A_163, %get3A_157 : vector<16xf32>
      %select_n3A_164 = arith.select %gt3A, %get3A_163, %get3A_157 : vector<16xi1>, vector<16xf32>
      %jit3A_165 = arith.constant 1 : i32
      %broadcast_in_dim3A_166 = vector.broadcast %jit3A_165 : i32 to vector<16xi32>
      %select_n3A_167 = arith.select %gt3A, %broadcast_in_dim3A_166, %broadcast_in_dim3A_159 : vector<16xi1>, vector<16xi32>
      %get3A_168 = arith.constant 2 : i32
      %get3A_169 = arith.index_cast %get3A_168 : i32 to index
      %get3A_170 = arith.index_cast %mul3A_154 : i32 to index
      %get3A_171 = tpu.vector_load %arg5[%get3A_169, %get3A_170] {strides = array<i32>} : memref<16x128xf32, #tpu.memory_space<vmem>>, vector<16xf32>,
      %gt3A_172 = arith.cmpf ogt, %get3A_171, %select_n3A_164 : vector<16xf32>
      %select_n3A_173 = arith.select %gt3A_172, %get3A_171, %select_n3A_164 : vector<16xi1>, vector<16xf32>
      %jit3A_174 = arith.constant 2 : i32
      %broadcast_in_dim3A_175 = vector.broadcast %jit3A_174 : i32 to vector<16xi32>
      %select_n3A_176 = arith.select %gt3A_172, %broadcast_in_dim3A_175, %select_n3A_167 : vector<16xi1>, vector<16xi32>
      %get3A_177 = arith.constant 3 : i32
      %get3A_178 = arith.index_cast %get3A_177 : i32 to index
      %get3A_179 = arith.index_cast %mul3A_154 : i32 to index
      %get3A_180 = tpu.vector_load %arg5[%get3A_178, %get3A_179] {strides = array<i32>} : memref<16x128xf32, #tpu.memory_space<vmem>>, vector<16xf32>,
      %gt3A_181 = arith.cmpf ogt, %get3A_180, %select_n3A_173 : vector<16xf32>
      %select_n3A_182 = arith.select %gt3A_181, %get3A_180, %select_n3A_173 : vector<16xi1>, vector<16xf32>
      %jit3A_183 = arith.constant 3 : i32
      %broadcast_in_dim3A_184 = vector.broadcast %jit3A_183 : i32 to vector<16xi32>
      %select_n3A_185 = arith.select %gt3A_181, %broadcast_in_dim3A_184, %select_n3A_176 : vector<16xi1>, vector<16xi32>
      %get3A_186 = arith.constant 4 : i32
      %get3A_187 = arith.index_cast %get3A_186 : i32 to index
      %get3A_188 = arith.index_cast %mul3A_154 : i32 to index
      %get3A_189 = tpu.vector_load %arg5[%get3A_187, %get3A_188] {strides = array<i32>} : memref<16x128xf32, #tpu.memory_space<vmem>>, vector<16xf32>,
      %gt3A_190 = arith.cmpf ogt, %get3A_189, %select_n3A_182 : vector<16xf32>
      %select_n3A_191 = arith.select %gt3A_190, %get3A_189, %select_n3A_182 : vector<16xi1>, vector<16xf32>
      %jit3A_192 = arith.constant 4 : i32
      %broadcast_in_dim3A_193 = vector.broadcast %jit3A_192 : i32 to vector<16xi32>
      %select_n3A_194 = arith.select %gt3A_190, %broadcast_in_dim3A_193, %select_n3A_185 : vector<16xi1>, vector<16xi32>
      %get3A_195 = arith.constant 5 : i32
      %get3A_196 = arith.index_cast %get3A_195 : i32 to index
      %get3A_197 = arith.index_cast %mul3A_154 : i32 to index
      %get3A_198 = tpu.vector_load %arg5[%get3A_196, %get3A_197] {strides = array<i32>} : memref<16x128xf32, #tpu.memory_space<vmem>>, vector<16xf32>,
      %gt3A_199 = arith.cmpf ogt, %get3A_198, %select_n3A_191 : vector<16xf32>
      %select_n3A_200 = arith.select %gt3A_199, %get3A_198, %select_n3A_191 : vector<16xi1>, vector<16xf32>
      %jit3A_201 = arith.constant 5 : i32
      %broadcast_in_dim3A_202 = vector.broadcast %jit3A_201 : i32 to vector<16xi32>
      %select_n3A_203 = arith.select %gt3A_199, %broadcast_in_dim3A_202, %select_n3A_194 : vector<16xi1>, vector<16xi32>
      %get3A_204 = arith.constant 6 : i32
      %get3A_205 = arith.index_cast %get3A_204 : i32 to index
      %get3A_206 = arith.index_cast %mul3A_154 : i32 to index
      %get3A_207 = tpu.vector_load %arg5[%get3A_205, %get3A_206] {strides = array<i32>} : memref<16x128xf32, #tpu.memory_space<vmem>>, vector<16xf32>,
      %gt3A_208 = arith.cmpf ogt, %get3A_207, %select_n3A_200 : vector<16xf32>
      %select_n3A_209 = arith.select %gt3A_208, %get3A_207, %select_n3A_200 : vector<16xi1>, vector<16xf32>
      %jit3A_210 = arith.constant 6 : i32
      %broadcast_in_dim3A_211 = vector.broadcast %jit3A_210 : i32 to vector<16xi32>
      %select_n3A_212 = arith.select %gt3A_208, %broadcast_in_dim3A_211, %select_n3A_203 : vector<16xi1>, vector<16xi32>
      %get3A_213 = arith.constant 7 : i32
      %get3A_214 = arith.index_cast %get3A_213 : i32 to index
      %get3A_215 = arith.index_cast %mul3A_154 : i32 to index
      %get3A_216 = tpu.vector_load %arg5[%get3A_214, %get3A_215] {strides = array<i32>} : memref<16x128xf32, #tpu.memory_space<vmem>>, vector<16xf32>,
      %gt3A_217 = arith.cmpf ogt, %get3A_216, %select_n3A_209 : vector<16xf32>
      %select_n3A_218 = arith.select %gt3A_217, %get3A_216, %select_n3A_209 : vector<16xi1>, vector<16xf32>
      %jit3A_219 = arith.constant 7 : i32
      %broadcast_in_dim3A_220 = vector.broadcast %jit3A_219 : i32 to vector<16xi32>
      %select_n3A_221 = arith.select %gt3A_217, %broadcast_in_dim3A_220, %select_n3A_212 : vector<16xi1>, vector<16xi32>
      %get3A_222 = arith.constant 8 : i32
      %get3A_223 = arith.index_cast %get3A_222 : i32 to index
      %get3A_224 = arith.index_cast %mul3A_154 : i32 to index
      %get3A_225 = tpu.vector_load %arg5[%get3A_223, %get3A_224] {strides = array<i32>} : memref<16x128xf32, #tpu.memory_space<vmem>>, vector<16xf32>,
      %gt3A_226 = arith.cmpf ogt, %get3A_225, %select_n3A_218 : vector<16xf32>
      %select_n3A_227 = arith.select %gt3A_226, %get3A_225, %select_n3A_218 : vector<16xi1>, vector<16xf32>
      %jit3A_228 = arith.constant 8 : i32
      %broadcast_in_dim3A_229 = vector.broadcast %jit3A_228 : i32 to vector<16xi32>
      %select_n3A_230 = arith.select %gt3A_226, %broadcast_in_dim3A_229, %select_n3A_221 : vector<16xi1>, vector<16xi32>
      %get3A_231 = arith.constant 9 : i32
      %get3A_232 = arith.index_cast %get3A_231 : i32 to index
      %get3A_233 = arith.index_cast %mul3A_154 : i32 to index
      %get3A_234 = tpu.vector_load %arg5[%get3A_232, %get3A_233] {strides = array<i32>} : memref<16x128xf32, #tpu.memory_space<vmem>>, vector<16xf32>,
      %gt3A_235 = arith.cmpf ogt, %get3A_234, %select_n3A_227 : vector<16xf32>
      %select_n3A_236 = arith.select %gt3A_235, %get3A_234, %select_n3A_227 : vector<16xi1>, vector<16xf32>
      %jit3A_237 = arith.constant 9 : i32
      %broadcast_in_dim3A_238 = vector.broadcast %jit3A_237 : i32 to vector<16xi32>
      %select_n3A_239 = arith.select %gt3A_235, %broadcast_in_dim3A_238, %select_n3A_230 : vector<16xi1>, vector<16xi32>
      %get3A_240 = arith.constant 10 : i32
      %get3A_241 = arith.index_cast %get3A_240 : i32 to index
      %get3A_242 = arith.index_cast %mul3A_154 : i32 to index
      %get3A_243 = tpu.vector_load %arg5[%get3A_241, %get3A_242] {strides = array<i32>} : memref<16x128xf32, #tpu.memory_space<vmem>>, vector<16xf32>,
      %gt3A_244 = arith.cmpf ogt, %get3A_243, %select_n3A_236 : vector<16xf32>
      %select_n3A_245 = arith.select %gt3A_244, %get3A_243, %select_n3A_236 : vector<16xi1>, vector<16xf32>
      %jit3A_246 = arith.constant 10 : i32
      %broadcast_in_dim3A_247 = vector.broadcast %jit3A_246 : i32 to vector<16xi32>
      %select_n3A_248 = arith.select %gt3A_244, %broadcast_in_dim3A_247, %select_n3A_239 : vector<16xi1>, vector<16xi32>
      %get3A_249 = arith.constant 11 : i32
      %get3A_250 = arith.index_cast %get3A_249 : i32 to index
      %get3A_251 = arith.index_cast %mul3A_154 : i32 to index
      %get3A_252 = tpu.vector_load %arg5[%get3A_250, %get3A_251] {strides = array<i32>} : memref<16x128xf32, #tpu.memory_space<vmem>>, vector<16xf32>,
      %gt3A_253 = arith.cmpf ogt, %get3A_252, %select_n3A_245 : vector<16xf32>
      %select_n3A_254 = arith.select %gt3A_253, %get3A_252, %select_n3A_245 : vector<16xi1>, vector<16xf32>
      %jit3A_255 = arith.constant 11 : i32
      %broadcast_in_dim3A_256 = vector.broadcast %jit3A_255 : i32 to vector<16xi32>
      %select_n3A_257 = arith.select %gt3A_253, %broadcast_in_dim3A_256, %select_n3A_248 : vector<16xi1>, vector<16xi32>
      %get3A_258 = arith.constant 12 : i32
      %get3A_259 = arith.index_cast %get3A_258 : i32 to index
      %get3A_260 = arith.index_cast %mul3A_154 : i32 to index
      %get3A_261 = tpu.vector_load %arg5[%get3A_259, %get3A_260] {strides = array<i32>} : memref<16x128xf32, #tpu.memory_space<vmem>>, vector<16xf32>,
      %gt3A_262 = arith.cmpf ogt, %get3A_261, %select_n3A_254 : vector<16xf32>
      %select_n3A_263 = arith.select %gt3A_262, %get3A_261, %select_n3A_254 : vector<16xi1>, vector<16xf32>
      %jit3A_264 = arith.constant 12 : i32
      %broadcast_in_dim3A_265 = vector.broadcast %jit3A_264 : i32 to vector<16xi32>
      %select_n3A_266 = arith.select %gt3A_262, %broadcast_in_dim3A_265, %select_n3A_257 : vector<16xi1>, vector<16xi32>
      %get3A_267 = arith.constant 13 : i32
      %get3A_268 = arith.index_cast %get3A_267 : i32 to index
      %get3A_269 = arith.index_cast %mul3A_154 : i32 to index
      %get3A_270 = tpu.vector_load %arg5[%get3A_268, %get3A_269] {strides = array<i32>} : memref<16x128xf32, #tpu.memory_space<vmem>>, vector<16xf32>,
      %gt3A_271 = arith.cmpf ogt, %get3A_270, %select_n3A_263 : vector<16xf32>
      %select_n3A_272 = arith.select %gt3A_271, %get3A_270, %select_n3A_263 : vector<16xi1>, vector<16xf32>
      %jit3A_273 = arith.constant 13 : i32
      %broadcast_in_dim3A_274 = vector.broadcast %jit3A_273 : i32 to vector<16xi32>
      %select_n3A_275 = arith.select %gt3A_271, %broadcast_in_dim3A_274, %select_n3A_266 : vector<16xi1>, vector<16xi32>
      %get3A_276 = arith.constant 14 : i32
      %get3A_277 = arith.index_cast %get3A_276 : i32 to index
      %get3A_278 = arith.index_cast %mul3A_154 : i32 to index
      %get3A_279 = tpu.vector_load %arg5[%get3A_277, %get3A_278] {strides = array<i32>} : memref<16x128xf32, #tpu.memory_space<vmem>>, vector<16xf32>,
      %gt3A_280 = arith.cmpf ogt, %get3A_279, %select_n3A_272 : vector<16xf32>
      %select_n3A_281 = arith.select %gt3A_280, %get3A_279, %select_n3A_272 : vector<16xi1>, vector<16xf32>
      %jit3A_282 = arith.constant 14 : i32
      %broadcast_in_dim3A_283 = vector.broadcast %jit3A_282 : i32 to vector<16xi32>
      %select_n3A_284 = arith.select %gt3A_280, %broadcast_in_dim3A_283, %select_n3A_275 : vector<16xi1>, vector<16xi32>
      %sub3A_285 = arith.constant 1 : i32
      %sub3A_286 = vector.broadcast %sub3A_285 : i32 to vector<16xi32>
      %sub3A_287 = arith.subi %iota3A, %sub3A_286 : vector<16xi32>
      %max3A = arith.constant 0 : i32
      %max3A_288 = vector.broadcast %max3A : i32 to vector<16xi32>
      %max3A_289 = arith.maxsi %sub3A_287, %max3A_288 : vector<16xi32>
      %lt3A_290 = arith.constant 0 : i32
      %lt3A_291 = vector.broadcast %lt3A_290 : i32 to vector<16xi32>
      %lt3A_292 = arith.cmpi slt, %max3A_289, %lt3A_291 : vector<16xi32>
      %add3A_293 = arith.constant 16 : i32
      %add3A_294 = vector.broadcast %add3A_293 : i32 to vector<16xi32>
      %add3A_295 = arith.addi %max3A_289, %add3A_294 : vector<16xi32>
      %select_n3A_296 = arith.select %lt3A_292, %add3A_295, %max3A_289 : vector<16xi1>, vector<16xi32>
      %reshape3A = vector.shape_cast %select_n3A_296 : vector<16xi32> to vector<16x1xi32>
      %gather3A = vector.shape_cast %reshape3A : vector<16x1xi32> to vector<16xi32>
      %gather3A_297 = tpu.dynamic_gather %select_n3A_284[%gather3A] in [0] : vector<16xi32>, vector<16xi32> -> vector<16xi32>
      %eq3A_298 = arith.constant 0 : i32
      %eq3A_299 = vector.broadcast %eq3A_298 : i32 to vector<16xi32>
      %eq3A_300 = arith.cmpi eq, %iota3A, %eq3A_299 : vector<16xi32>
      %select_n3A_301 = arith.select %eq3A_300, %while3A_152, %gather3A_297 : vector<16xi1>, vector<16xi32>
      %ne3A_302 = arith.cmpi ne, %select_n3A_284, %select_n3A_301 : vector<16xi32>
      %ne3A_303 = arith.constant 14 : i32
      %ne3A_304 = vector.broadcast %ne3A_303 : i32 to vector<16xi32>
      %ne3A_305 = arith.cmpi ne, %select_n3A_284, %ne3A_304 : vector<16xi32>
      %and3A_306 = arith.andi %ne3A_302, %ne3A_305 : vector<16xi1>
      %jit3A_307 = arith.constant 1 : i32
      %jit3A_308 = arith.constant 0 : i32
      %broadcast_in_dim3A_309 = vector.broadcast %jit3A_307 : i32 to vector<16xi32>
      %broadcast_in_dim3A_310 = vector.broadcast %jit3A_308 : i32 to vector<16xi32>
      %select_n3A_311 = arith.select %and3A_306, %broadcast_in_dim3A_309, %broadcast_in_dim3A_310 : vector<16xi1>, vector<16xi32>
      %broadcast_in_dim3A_312 = arith.constant true
      %broadcast_in_dim3A_313 = vector.broadcast %broadcast_in_dim3A_312 : i1 to vector<16xi1>
      %masked_cumsum3A = tpu.scan <sum>, %select_n3A_311 masked %broadcast_in_dim3A_313 : vector<16xi32>, vector<16xi1> -> vector<16xi32>
      %add3A_314 = vector.broadcast %while3A_151 : i32 to vector<16xi32>
      %add3A_315 = arith.addi %add3A_314, %masked_cumsum3A : vector<16xi32>
      %sub3A_316 = arith.constant 1 : i32
      %sub3A_317 = vector.broadcast %sub3A_316 : i32 to vector<16xi32>
      %sub3A_318 = arith.subi %add3A_315, %sub3A_317 : vector<16xi32>
      %lt3A_319 = arith.constant 20 : i32
      %lt3A_320 = vector.broadcast %lt3A_319 : i32 to vector<16xi32>
      %lt3A_321 = arith.cmpi slt, %sub3A_318, %lt3A_320 : vector<16xi32>
      %and3A_322 = arith.andi %and3A_306, %lt3A_321 : vector<16xi1>
      %min3A_323 = arith.constant 20 : i32
      %min3A_324 = vector.broadcast %min3A_323 : i32 to vector<16xi32>
      %min3A_325 = arith.minsi %sub3A_318, %min3A_324 : vector<16xi32>
      tpu.vector_store_idx %arg7[%min3A_325], %select_n3A_284 masked %and3A_322 : memref<24xi32, #tpu.memory_space<vmem>>[vector<16xi32>], vector<16xi32>, vector<16xi1>
      %slice3A = vector.extract_strided_slice %masked_cumsum3A {offsets = [15], sizes = [1], strides = [1]} : vector<16xi32> to vector<1xi32>
      %squeeze3A = vector.extract %slice3A[0] : i32 from vector<1xi32>
      %add3A_326 = arith.addi %while3A_151, %squeeze3A : i32
      %broadcast_in_dim3A_327 = arith.constant 15 : i32
      %broadcast_in_dim3A_328 = vector.broadcast %broadcast_in_dim3A_327 : i32 to vector<16xi32>
      %lt3A_329 = arith.constant 0 : i32
      %lt3A_330 = vector.broadcast %lt3A_329 : i32 to vector<16xi32>
      %lt3A_331 = arith.cmpi slt, %broadcast_in_dim3A_328, %lt3A_330 : vector<16xi32>
      %add3A_332 = arith.constant 16 : i32
      %add3A_333 = vector.broadcast %add3A_332 : i32 to vector<16xi32>
      %add3A_334 = arith.addi %broadcast_in_dim3A_328, %add3A_333 : vector<16xi32>
      %select_n3A_335 = arith.select %lt3A_331, %add3A_334, %broadcast_in_dim3A_328 : vector<16xi1>, vector<16xi32>
      %reshape3A_336 = vector.shape_cast %select_n3A_335 : vector<16xi32> to vector<16x1xi32>
      %gather3A_337 = vector.shape_cast %reshape3A_336 : vector<16x1xi32> to vector<16xi32>
      %gather3A_338 = tpu.dynamic_gather %select_n3A_284[%gather3A_337] in [0] : vector<16xi32>, vector<16xi32> -> vector<16xi32>
      %add3A_339 = arith.constant 1 : i32
      %add3A_340 = arith.addi %while3A_150, %add3A_339 : i32
      scf.yield %add3A_340, %add3A_326, %gather3A_338 : i32, i32, vector<16xi32>
    }
    %while3A_130 = arith.constant 1 : i32
    %while3A_131:3 = scf.while (%while3A_150 = %while3A_130, %while3A_151 = %while3A_129#1, %while3A_152 = %while3A_129#2) : (i32, i32, vector<16xi32>) -> (i32, i32, vector<16xi32>) {
      %lt3A_153 = arith.constant 16 : i32
      %lt3A_154 = arith.cmpi slt, %while3A_150, %lt3A_153 : i32
      %lt3A_155 = arith.constant 20 : i32
      %lt3A_156 = arith.cmpi slt, %while3A_151, %lt3A_155 : i32
      %and3A_157 = arith.andi %lt3A_154, %lt3A_156 : i1
      scf.condition(%and3A_157) %while3A_150, %while3A_151, %while3A_152 : i32, i32, vector<16xi32>
    } do {
    ^bb0(%while3A_150: i32, %while3A_151: i32, %while3A_152: vector<16xi32>):
      %mul3A_153 = arith.constant 8 : i32
      %mul3A_154 = arith.muli %while3A_150, %mul3A_153 : i32
      %add3A_155 = vector.broadcast %mul3A_154 : i32 to vector<16xi32>
      %add3A_156 = arith.addi %add3A_99, %add3A_155 : vector<16xi32>
      %dma_start3A_157 = arith.constant 0 : i32
      %dma_start3A_158 = arith.constant 0 : i32
      %dma_start3A_159 = tpu.memref_slice %arg2[%dma_start3A_157, %dma_start3A_158] : memref<15360x128xf32, #tpu.memory_space<hbm>> -> memref<15360x128xf32, #tpu.memory_space<hbm>>
      tpu.enqueue_indirect_dma source(%dma_start3A_159 : memref<15360x128xf32, #tpu.memory_space<hbm>>) target(%arg5 : memref<16x128xf32, #tpu.memory_space<vmem>>) offsets(%add3A_156 : vector<16xi32>) semaphore(%arg9 : memref<!tpu.dma_semaphore, #tpu.memory_space<semaphore_mem>>)
      %dma_wait3A_160 = arith.constant 0 : i32
      %dma_wait3A_161 = arith.constant 0 : i32
      %dma_wait3A_162 = tpu.memref_slice %arg2[%dma_wait3A_160, %dma_wait3A_161] : memref<15360x128xf32, #tpu.memory_space<hbm>> -> memref<15360x128xf32, #tpu.memory_space<hbm>>
      tpu.wait_indirect_dma semaphore(%arg9 : memref<!tpu.dma_semaphore, #tpu.memory_space<semaphore_mem>>) src(%dma_wait3A_162 : memref<15360x128xf32, #tpu.memory_space<hbm>>) dst(%arg5 : memref<16x128xf32, #tpu.memory_space<vmem>>)
      %while3A_163 = arith.constant 0 : i32
      %while3A_164:3 = scf.while (%while3A_167 = %while3A_163, %while3A_168 = %while3A_151, %while3A_169 = %while3A_152) : (i32, i32, vector<16xi32>) -> (i32, i32, vector<16xi32>) {
        %lt3A_170 = arith.constant 8 : i32
        %lt3A_171 = arith.cmpi slt, %while3A_167, %lt3A_170 : i32
        %lt3A_172 = arith.constant 20 : i32
        %lt3A_173 = arith.cmpi slt, %while3A_168, %lt3A_172 : i32
        %and3A_174 = arith.andi %lt3A_171, %lt3A_173 : i1
        scf.condition(%and3A_174) %while3A_167, %while3A_168, %while3A_169 : i32, i32, vector<16xi32>
      } do {
      ^bb0(%while3A_167: i32, %while3A_168: i32, %while3A_169: vector<16xi32>):
        %mul3A_170 = arith.constant 16 : i32
        %mul3A_171 = arith.muli %while3A_167, %mul3A_170 : i32
        %get3A = arith.constant 0 : i32
        %get3A_172 = arith.index_cast %get3A : i32 to index
        %get3A_173 = arith.index_cast %mul3A_171 : i32 to index
        %get3A_174 = tpu.vector_load %arg5[%get3A_172, %get3A_173] {strides = array<i32>} : memref<16x128xf32, #tpu.memory_space<vmem>>, vector<16xf32>,
        %broadcast_in_dim3A_175 = arith.constant 0 : i32
        %broadcast_in_dim3A_176 = vector.broadcast %broadcast_in_dim3A_175 : i32 to vector<16xi32>
        %get3A_177 = arith.constant 1 : i32
        %get3A_178 = arith.index_cast %get3A_177 : i32 to index
        %get3A_179 = arith.index_cast %mul3A_171 : i32 to index
        %get3A_180 = tpu.vector_load %arg5[%get3A_178, %get3A_179] {strides = array<i32>} : memref<16x128xf32, #tpu.memory_space<vmem>>, vector<16xf32>,
        %gt3A = arith.cmpf ogt, %get3A_180, %get3A_174 : vector<16xf32>
        %select_n3A_181 = arith.select %gt3A, %get3A_180, %get3A_174 : vector<16xi1>, vector<16xf32>
        %jit3A_182 = arith.constant 1 : i32
        %broadcast_in_dim3A_183 = vector.broadcast %jit3A_182 : i32 to vector<16xi32>
        %select_n3A_184 = arith.select %gt3A, %broadcast_in_dim3A_183, %broadcast_in_dim3A_176 : vector<16xi1>, vector<16xi32>
        %get3A_185 = arith.constant 2 : i32
        %get3A_186 = arith.index_cast %get3A_185 : i32 to index
        %get3A_187 = arith.index_cast %mul3A_171 : i32 to index
        %get3A_188 = tpu.vector_load %arg5[%get3A_186, %get3A_187] {strides = array<i32>} : memref<16x128xf32, #tpu.memory_space<vmem>>, vector<16xf32>,
        %gt3A_189 = arith.cmpf ogt, %get3A_188, %select_n3A_181 : vector<16xf32>
        %select_n3A_190 = arith.select %gt3A_189, %get3A_188, %select_n3A_181 : vector<16xi1>, vector<16xf32>
        %jit3A_191 = arith.constant 2 : i32
        %broadcast_in_dim3A_192 = vector.broadcast %jit3A_191 : i32 to vector<16xi32>
        %select_n3A_193 = arith.select %gt3A_189, %broadcast_in_dim3A_192, %select_n3A_184 : vector<16xi1>, vector<16xi32>
        %get3A_194 = arith.constant 3 : i32
        %get3A_195 = arith.index_cast %get3A_194 : i32 to index
        %get3A_196 = arith.index_cast %mul3A_171 : i32 to index
        %get3A_197 = tpu.vector_load %arg5[%get3A_195, %get3A_196] {strides = array<i32>} : memref<16x128xf32, #tpu.memory_space<vmem>>, vector<16xf32>,
        %gt3A_198 = arith.cmpf ogt, %get3A_197, %select_n3A_190 : vector<16xf32>
        %select_n3A_199 = arith.select %gt3A_198, %get3A_197, %select_n3A_190 : vector<16xi1>, vector<16xf32>
        %jit3A_200 = arith.constant 3 : i32
        %broadcast_in_dim3A_201 = vector.broadcast %jit3A_200 : i32 to vector<16xi32>
        %select_n3A_202 = arith.select %gt3A_198, %broadcast_in_dim3A_201, %select_n3A_193 : vector<16xi1>, vector<16xi32>
        %get3A_203 = arith.constant 4 : i32
        %get3A_204 = arith.index_cast %get3A_203 : i32 to index
        %get3A_205 = arith.index_cast %mul3A_171 : i32 to index
        %get3A_206 = tpu.vector_load %arg5[%get3A_204, %get3A_205] {strides = array<i32>} : memref<16x128xf32, #tpu.memory_space<vmem>>, vector<16xf32>,
        %gt3A_207 = arith.cmpf ogt, %get3A_206, %select_n3A_199 : vector<16xf32>
        %select_n3A_208 = arith.select %gt3A_207, %get3A_206, %select_n3A_199 : vector<16xi1>, vector<16xf32>
        %jit3A_209 = arith.constant 4 : i32
        %broadcast_in_dim3A_210 = vector.broadcast %jit3A_209 : i32 to vector<16xi32>
        %select_n3A_211 = arith.select %gt3A_207, %broadcast_in_dim3A_210, %select_n3A_202 : vector<16xi1>, vector<16xi32>
        %get3A_212 = arith.constant 5 : i32
        %get3A_213 = arith.index_cast %get3A_212 : i32 to index
        %get3A_214 = arith.index_cast %mul3A_171 : i32 to index
        %get3A_215 = tpu.vector_load %arg5[%get3A_213, %get3A_214] {strides = array<i32>} : memref<16x128xf32, #tpu.memory_space<vmem>>, vector<16xf32>,
        %gt3A_216 = arith.cmpf ogt, %get3A_215, %select_n3A_208 : vector<16xf32>
        %select_n3A_217 = arith.select %gt3A_216, %get3A_215, %select_n3A_208 : vector<16xi1>, vector<16xf32>
        %jit3A_218 = arith.constant 5 : i32
        %broadcast_in_dim3A_219 = vector.broadcast %jit3A_218 : i32 to vector<16xi32>
        %select_n3A_220 = arith.select %gt3A_216, %broadcast_in_dim3A_219, %select_n3A_211 : vector<16xi1>, vector<16xi32>
        %get3A_221 = arith.constant 6 : i32
        %get3A_222 = arith.index_cast %get3A_221 : i32 to index
        %get3A_223 = arith.index_cast %mul3A_171 : i32 to index
        %get3A_224 = tpu.vector_load %arg5[%get3A_222, %get3A_223] {strides = array<i32>} : memref<16x128xf32, #tpu.memory_space<vmem>>, vector<16xf32>,
        %gt3A_225 = arith.cmpf ogt, %get3A_224, %select_n3A_217 : vector<16xf32>
        %select_n3A_226 = arith.select %gt3A_225, %get3A_224, %select_n3A_217 : vector<16xi1>, vector<16xf32>
        %jit3A_227 = arith.constant 6 : i32
        %broadcast_in_dim3A_228 = vector.broadcast %jit3A_227 : i32 to vector<16xi32>
        %select_n3A_229 = arith.select %gt3A_225, %broadcast_in_dim3A_228, %select_n3A_220 : vector<16xi1>, vector<16xi32>
        %get3A_230 = arith.constant 7 : i32
        %get3A_231 = arith.index_cast %get3A_230 : i32 to index
        %get3A_232 = arith.index_cast %mul3A_171 : i32 to index
        %get3A_233 = tpu.vector_load %arg5[%get3A_231, %get3A_232] {strides = array<i32>} : memref<16x128xf32, #tpu.memory_space<vmem>>, vector<16xf32>,
        %gt3A_234 = arith.cmpf ogt, %get3A_233, %select_n3A_226 : vector<16xf32>
        %select_n3A_235 = arith.select %gt3A_234, %get3A_233, %select_n3A_226 : vector<16xi1>, vector<16xf32>
        %jit3A_236 = arith.constant 7 : i32
        %broadcast_in_dim3A_237 = vector.broadcast %jit3A_236 : i32 to vector<16xi32>
        %select_n3A_238 = arith.select %gt3A_234, %broadcast_in_dim3A_237, %select_n3A_229 : vector<16xi1>, vector<16xi32>
        %get3A_239 = arith.constant 8 : i32
        %get3A_240 = arith.index_cast %get3A_239 : i32 to index
        %get3A_241 = arith.index_cast %mul3A_171 : i32 to index
        %get3A_242 = tpu.vector_load %arg5[%get3A_240, %get3A_241] {strides = array<i32>} : memref<16x128xf32, #tpu.memory_space<vmem>>, vector<16xf32>,
        %gt3A_243 = arith.cmpf ogt, %get3A_242, %select_n3A_235 : vector<16xf32>
        %select_n3A_244 = arith.select %gt3A_243, %get3A_242, %select_n3A_235 : vector<16xi1>, vector<16xf32>
        %jit3A_245 = arith.constant 8 : i32
        %broadcast_in_dim3A_246 = vector.broadcast %jit3A_245 : i32 to vector<16xi32>
        %select_n3A_247 = arith.select %gt3A_243, %broadcast_in_dim3A_246, %select_n3A_238 : vector<16xi1>, vector<16xi32>
        %get3A_248 = arith.constant 9 : i32
        %get3A_249 = arith.index_cast %get3A_248 : i32 to index
        %get3A_250 = arith.index_cast %mul3A_171 : i32 to index
        %get3A_251 = tpu.vector_load %arg5[%get3A_249, %get3A_250] {strides = array<i32>} : memref<16x128xf32, #tpu.memory_space<vmem>>, vector<16xf32>,
        %gt3A_252 = arith.cmpf ogt, %get3A_251, %select_n3A_244 : vector<16xf32>
        %select_n3A_253 = arith.select %gt3A_252, %get3A_251, %select_n3A_244 : vector<16xi1>, vector<16xf32>
        %jit3A_254 = arith.constant 9 : i32
        %broadcast_in_dim3A_255 = vector.broadcast %jit3A_254 : i32 to vector<16xi32>
        %select_n3A_256 = arith.select %gt3A_252, %broadcast_in_dim3A_255, %select_n3A_247 : vector<16xi1>, vector<16xi32>
        %get3A_257 = arith.constant 10 : i32
        %get3A_258 = arith.index_cast %get3A_257 : i32 to index
        %get3A_259 = arith.index_cast %mul3A_171 : i32 to index
        %get3A_260 = tpu.vector_load %arg5[%get3A_258, %get3A_259] {strides = array<i32>} : memref<16x128xf32, #tpu.memory_space<vmem>>, vector<16xf32>,
        %gt3A_261 = arith.cmpf ogt, %get3A_260, %select_n3A_253 : vector<16xf32>
        %select_n3A_262 = arith.select %gt3A_261, %get3A_260, %select_n3A_253 : vector<16xi1>, vector<16xf32>
        %jit3A_263 = arith.constant 10 : i32
        %broadcast_in_dim3A_264 = vector.broadcast %jit3A_263 : i32 to vector<16xi32>
        %select_n3A_265 = arith.select %gt3A_261, %broadcast_in_dim3A_264, %select_n3A_256 : vector<16xi1>, vector<16xi32>
        %get3A_266 = arith.constant 11 : i32
        %get3A_267 = arith.index_cast %get3A_266 : i32 to index
        %get3A_268 = arith.index_cast %mul3A_171 : i32 to index
        %get3A_269 = tpu.vector_load %arg5[%get3A_267, %get3A_268] {strides = array<i32>} : memref<16x128xf32, #tpu.memory_space<vmem>>, vector<16xf32>,
        %gt3A_270 = arith.cmpf ogt, %get3A_269, %select_n3A_262 : vector<16xf32>
        %select_n3A_271 = arith.select %gt3A_270, %get3A_269, %select_n3A_262 : vector<16xi1>, vector<16xf32>
        %jit3A_272 = arith.constant 11 : i32
        %broadcast_in_dim3A_273 = vector.broadcast %jit3A_272 : i32 to vector<16xi32>
        %select_n3A_274 = arith.select %gt3A_270, %broadcast_in_dim3A_273, %select_n3A_265 : vector<16xi1>, vector<16xi32>
        %get3A_275 = arith.constant 12 : i32
        %get3A_276 = arith.index_cast %get3A_275 : i32 to index
        %get3A_277 = arith.index_cast %mul3A_171 : i32 to index
        %get3A_278 = tpu.vector_load %arg5[%get3A_276, %get3A_277] {strides = array<i32>} : memref<16x128xf32, #tpu.memory_space<vmem>>, vector<16xf32>,
        %gt3A_279 = arith.cmpf ogt, %get3A_278, %select_n3A_271 : vector<16xf32>
        %select_n3A_280 = arith.select %gt3A_279, %get3A_278, %select_n3A_271 : vector<16xi1>, vector<16xf32>
        %jit3A_281 = arith.constant 12 : i32
        %broadcast_in_dim3A_282 = vector.broadcast %jit3A_281 : i32 to vector<16xi32>
        %select_n3A_283 = arith.select %gt3A_279, %broadcast_in_dim3A_282, %select_n3A_274 : vector<16xi1>, vector<16xi32>
        %get3A_284 = arith.constant 13 : i32
        %get3A_285 = arith.index_cast %get3A_284 : i32 to index
        %get3A_286 = arith.index_cast %mul3A_171 : i32 to index
        %get3A_287 = tpu.vector_load %arg5[%get3A_285, %get3A_286] {strides = array<i32>} : memref<16x128xf32, #tpu.memory_space<vmem>>, vector<16xf32>,
        %gt3A_288 = arith.cmpf ogt, %get3A_287, %select_n3A_280 : vector<16xf32>
        %select_n3A_289 = arith.select %gt3A_288, %get3A_287, %select_n3A_280 : vector<16xi1>, vector<16xf32>
        %jit3A_290 = arith.constant 13 : i32
        %broadcast_in_dim3A_291 = vector.broadcast %jit3A_290 : i32 to vector<16xi32>
        %select_n3A_292 = arith.select %gt3A_288, %broadcast_in_dim3A_291, %select_n3A_283 : vector<16xi1>, vector<16xi32>
        %get3A_293 = arith.constant 14 : i32
        %get3A_294 = arith.index_cast %get3A_293 : i32 to index
        %get3A_295 = arith.index_cast %mul3A_171 : i32 to index
        %get3A_296 = tpu.vector_load %arg5[%get3A_294, %get3A_295] {strides = array<i32>} : memref<16x128xf32, #tpu.memory_space<vmem>>, vector<16xf32>,
        %gt3A_297 = arith.cmpf ogt, %get3A_296, %select_n3A_289 : vector<16xf32>
        %select_n3A_298 = arith.select %gt3A_297, %get3A_296, %select_n3A_289 : vector<16xi1>, vector<16xf32>
        %jit3A_299 = arith.constant 14 : i32
        %broadcast_in_dim3A_300 = vector.broadcast %jit3A_299 : i32 to vector<16xi32>
        %select_n3A_301 = arith.select %gt3A_297, %broadcast_in_dim3A_300, %select_n3A_292 : vector<16xi1>, vector<16xi32>
        %sub3A_302 = arith.constant 1 : i32
        %sub3A_303 = vector.broadcast %sub3A_302 : i32 to vector<16xi32>
        %sub3A_304 = arith.subi %iota3A, %sub3A_303 : vector<16xi32>
        %max3A = arith.constant 0 : i32
        %max3A_305 = vector.broadcast %max3A : i32 to vector<16xi32>
        %max3A_306 = arith.maxsi %sub3A_304, %max3A_305 : vector<16xi32>
        %lt3A_307 = arith.constant 0 : i32
        %lt3A_308 = vector.broadcast %lt3A_307 : i32 to vector<16xi32>
        %lt3A_309 = arith.cmpi slt, %max3A_306, %lt3A_308 : vector<16xi32>
        %add3A_310 = arith.constant 16 : i32
        %add3A_311 = vector.broadcast %add3A_310 : i32 to vector<16xi32>
        %add3A_312 = arith.addi %max3A_306, %add3A_311 : vector<16xi32>
        %select_n3A_313 = arith.select %lt3A_309, %add3A_312, %max3A_306 : vector<16xi1>, vector<16xi32>
        %reshape3A = vector.shape_cast %select_n3A_313 : vector<16xi32> to vector<16x1xi32>
        %gather3A = vector.shape_cast %reshape3A : vector<16x1xi32> to vector<16xi32>
        %gather3A_314 = tpu.dynamic_gather %select_n3A_301[%gather3A] in [0] : vector<16xi32>, vector<16xi32> -> vector<16xi32>
        %eq3A_315 = arith.constant 0 : i32
        %eq3A_316 = vector.broadcast %eq3A_315 : i32 to vector<16xi32>
        %eq3A_317 = arith.cmpi eq, %iota3A, %eq3A_316 : vector<16xi32>
        %select_n3A_318 = arith.select %eq3A_317, %while3A_169, %gather3A_314 : vector<16xi1>, vector<16xi32>
        %ne3A_319 = arith.cmpi ne, %select_n3A_301, %select_n3A_318 : vector<16xi32>
        %ne3A_320 = arith.constant 14 : i32
        %ne3A_321 = vector.broadcast %ne3A_320 : i32 to vector<16xi32>
        %ne3A_322 = arith.cmpi ne, %select_n3A_301, %ne3A_321 : vector<16xi32>
        %and3A_323 = arith.andi %ne3A_319, %ne3A_322 : vector<16xi1>
        %jit3A_324 = arith.constant 1 : i32
        %jit3A_325 = arith.constant 0 : i32
        %broadcast_in_dim3A_326 = vector.broadcast %jit3A_324 : i32 to vector<16xi32>
        %broadcast_in_dim3A_327 = vector.broadcast %jit3A_325 : i32 to vector<16xi32>
        %select_n3A_328 = arith.select %and3A_323, %broadcast_in_dim3A_326, %broadcast_in_dim3A_327 : vector<16xi1>, vector<16xi32>
        %broadcast_in_dim3A_329 = arith.constant true
        %broadcast_in_dim3A_330 = vector.broadcast %broadcast_in_dim3A_329 : i1 to vector<16xi1>
        %masked_cumsum3A = tpu.scan <sum>, %select_n3A_328 masked %broadcast_in_dim3A_330 : vector<16xi32>, vector<16xi1> -> vector<16xi32>
        %add3A_331 = vector.broadcast %while3A_168 : i32 to vector<16xi32>
        %add3A_332 = arith.addi %add3A_331, %masked_cumsum3A : vector<16xi32>
        %sub3A_333 = arith.constant 1 : i32
        %sub3A_334 = vector.broadcast %sub3A_333 : i32 to vector<16xi32>
        %sub3A_335 = arith.subi %add3A_332, %sub3A_334 : vector<16xi32>
        %lt3A_336 = arith.constant 20 : i32
        %lt3A_337 = vector.broadcast %lt3A_336 : i32 to vector<16xi32>
        %lt3A_338 = arith.cmpi slt, %sub3A_335, %lt3A_337 : vector<16xi32>
        %and3A_339 = arith.andi %and3A_323, %lt3A_338 : vector<16xi1>
        %min3A_340 = arith.constant 20 : i32
        %min3A_341 = vector.broadcast %min3A_340 : i32 to vector<16xi32>
        %min3A_342 = arith.minsi %sub3A_335, %min3A_341 : vector<16xi32>
        tpu.vector_store_idx %arg7[%min3A_342], %select_n3A_301 masked %and3A_339 : memref<24xi32, #tpu.memory_space<vmem>>[vector<16xi32>], vector<16xi32>, vector<16xi1>
        %slice3A = vector.extract_strided_slice %masked_cumsum3A {offsets = [15], sizes = [1], strides = [1]} : vector<16xi32> to vector<1xi32>
        %squeeze3A = vector.extract %slice3A[0] : i32 from vector<1xi32>
        %add3A_343 = arith.addi %while3A_168, %squeeze3A : i32
        %broadcast_in_dim3A_344 = arith.constant 15 : i32
        %broadcast_in_dim3A_345 = vector.broadcast %broadcast_in_dim3A_344 : i32 to vector<16xi32>
        %lt3A_346 = arith.constant 0 : i32
        %lt3A_347 = vector.broadcast %lt3A_346 : i32 to vector<16xi32>
        %lt3A_348 = arith.cmpi slt, %broadcast_in_dim3A_345, %lt3A_347 : vector<16xi32>
        %add3A_349 = arith.constant 16 : i32
        %add3A_350 = vector.broadcast %add3A_349 : i32 to vector<16xi32>
        %add3A_351 = arith.addi %broadcast_in_dim3A_345, %add3A_350 : vector<16xi32>
        %select_n3A_352 = arith.select %lt3A_348, %add3A_351, %broadcast_in_dim3A_345 : vector<16xi1>, vector<16xi32>
        %reshape3A_353 = vector.shape_cast %select_n3A_352 : vector<16xi32> to vector<16x1xi32>
        %gather3A_354 = vector.shape_cast %reshape3A_353 : vector<16x1xi32> to vector<16xi32>
        %gather3A_355 = tpu.dynamic_gather %select_n3A_301[%gather3A_354] in [0] : vector<16xi32>, vector<16xi32> -> vector<16xi32>
        %add3A_356 = arith.constant 1 : i32
        %add3A_357 = arith.addi %while3A_167, %add3A_356 : i32
        scf.yield %add3A_357, %add3A_343, %gather3A_355 : i32, i32, vector<16xi32>
      }
      %add3A_165 = arith.constant 1 : i32
      %add3A_166 = arith.addi %while3A_150, %add3A_165 : i32
      scf.yield %add3A_166, %while3A_164#1, %while3A_164#2 : i32, i32, vector<16xi32>
    }
    %dma_start3A_132 = arith.constant 0 : i32
    %dma_start3A_133 = tpu.memref_slice %arg3[%add3A_11, %dma_start3A_132] : memref<64x24xi32, #tpu.memory_space<hbm>> -> memref<1x24xi32, #tpu.memory_space<hbm>>
    %dma_start3A_134 = tpu.memref_squeeze %dma_start3A_133 : memref<1x24xi32, #tpu.memory_space<hbm>> -> memref<24xi32, #tpu.memory_space<hbm>>
    %dma_start3A_135 = arith.constant 0 : i32
    %dma_start3A_136 = tpu.memref_slice %arg3[%add3A_11, %dma_start3A_135] : memref<64x24xi32, #tpu.memory_space<hbm>> -> memref<1x24xi32, #tpu.memory_space<hbm>>
    %dma_start3A_137 = tpu.memref_squeeze %dma_start3A_136 : memref<1x24xi32, #tpu.memory_space<hbm>> -> memref<24xi32, #tpu.memory_space<hbm>>
    tpu.enqueue_dma source(%arg7 : memref<24xi32, #tpu.memory_space<vmem>>) target(%dma_start3A_137 : memref<24xi32, #tpu.memory_space<hbm>>) target_semaphore(%arg10 : memref<!tpu.dma_semaphore, #tpu.memory_space<semaphore_mem>>)
    %dma_wait3A_138 = arith.constant 0 : i32
    %dma_wait3A_139 = tpu.memref_slice %arg3[%add3A_7, %dma_wait3A_138] : memref<64x24xi32, #tpu.memory_space<hbm>> -> memref<1x24xi32, #tpu.memory_space<hbm>>
    %dma_wait3A_140 = tpu.memref_squeeze %dma_wait3A_139 : memref<1x24xi32, #tpu.memory_space<hbm>> -> memref<24xi32, #tpu.memory_space<hbm>>
    %dma_wait3A_141 = arith.constant 0 : i32
    %dma_wait3A_142 = tpu.memref_slice %arg3[%add3A_7, %dma_wait3A_141] : memref<64x24xi32, #tpu.memory_space<hbm>> -> memref<1x24xi32, #tpu.memory_space<hbm>>
    %dma_wait3A_143 = tpu.memref_squeeze %dma_wait3A_142 : memref<1x24xi32, #tpu.memory_space<hbm>> -> memref<24xi32, #tpu.memory_space<hbm>>
    tpu.wait_dma2 semaphore(%arg10 : memref<!tpu.dma_semaphore, #tpu.memory_space<semaphore_mem>>) src(%arg6 : memref<24xi32, #tpu.memory_space<vmem>>) dst(%dma_wait3A_143 : memref<24xi32, #tpu.memory_space<hbm>>)
    %dma_wait3A_144 = arith.constant 0 : i32
    %dma_wait3A_145 = tpu.memref_slice %arg3[%add3A_11, %dma_wait3A_144] : memref<64x24xi32, #tpu.memory_space<hbm>> -> memref<1x24xi32, #tpu.memory_space<hbm>>
    %dma_wait3A_146 = tpu.memref_squeeze %dma_wait3A_145 : memref<1x24xi32, #tpu.memory_space<hbm>> -> memref<24xi32, #tpu.memory_space<hbm>>
    %dma_wait3A_147 = arith.constant 0 : i32
    %dma_wait3A_148 = tpu.memref_slice %arg3[%add3A_11, %dma_wait3A_147] : memref<64x24xi32, #tpu.memory_space<hbm>> -> memref<1x24xi32, #tpu.memory_space<hbm>>
    %dma_wait3A_149 = tpu.memref_squeeze %dma_wait3A_148 : memref<1x24xi32, #tpu.memory_space<hbm>> -> memref<24xi32, #tpu.memory_space<hbm>>
    tpu.wait_dma2 semaphore(%arg10 : memref<!tpu.dma_semaphore, #tpu.memory_space<semaphore_mem>>) src(%arg7 : memref<24xi32, #tpu.memory_space<vmem>>) dst(%dma_wait3A_149 : memref<24xi32, #tpu.memory_space<hbm>>)
    return
  }
}

</mosaic_0001>

<sc_bundles>
// kernel: kernel.3.cloned.1.call-start
scs
__scs_entry_jumppad:
0x0: {  	(pc) =	sbr.rel $0x88, $3  }
0x1: {  	(tag) =	ssettag $0x0;
	lr =	simm.s32 $0x1  }
0x2: {  	[smem:$0x3FA0] =	sst lr;
	_ =	strace $0xD0000000  }
0x3: {  	_ = 	snop  }
0x4: {  	_ = 	snop  }
0x5: {  	_ = 	snop  }
0x6: {  	_ = 	snop  }
0x7: {  	_ = 	snop  }
__scs_overlays_trampoline_lowered:
0x8: {  	[smem:$0x3FAF] =	sst s0  }
0x9: {  	[smem:$0x3FB0] =	sst s1  }
0xa: {  	[smem:$0x3FB1] =	sst s2  }
0xb: {  	[smem:$0x3FB2] =	sst s3  }
0xc: {  	[smem:$0x3FB3] =	sst s4  }
0xd: {  	[smem:$0x3FB4] =	sst s5  }
0xe: {  	[smem:$0x3FB5] =	sst s6  }
0xf: {  	[smem:$0x3FB6] =	sst s7  }
0x10: {  	[smem:$0x3FB7] =	sst s8  }
0x11: {  	[smem:$0x3FB8] =	sst s9;
	s0 =	simm.s32 @!p0 $0x0  }
0x12: {  	s1 =	sld [smem:$0x3F9E];
	s0 =	simm.s32 @p0 $0x1  }
0x13: {  	[smem:$0x3FB9] =	sst s0;
	s0 =	simm.s32 @!p1 $0x0  }
0x14: {  	s2 =	sld [smem:$0x3F9D];
	s0 =	simm.s32 @p1 $0x1  }
0x15: {  	[smem:$0x3FBA] =	sst s0;
	s0 =	simm.s32 @!p2 $0x0  }
0x16: {  	s3 =	sld [smem:$0x3FDB];
	s0 =	simm.s32 @p2 $0x1  }
0x17: {  	s4 =	simm.s32 $0x1BF5;
	[smem:$0x3FBC] =	sst s0  }
0x18: {  	s0 =	sld [smem:$0x3F9F];
	_ =	swait.ge [sflag:s4], $0x0  }
0x19: {  	s7 =	sld [smem:$0x3FA0]  }
0x1a: {  	s8 =	sadd.s32 $0xFFFFE003, lr  }
0x1b: {  	s9 =	sadd.s32 $0xFFFFFEF7, lr;
	s5 =	simm.s32 $0xFFFFFFFF;
	p2 =	slt.u32 s8, $0xFFFFF086  }
0x1c: {  	p1 =	slt.u32 s9, $0xF7A;
	s5 =	simm.s32 @!p2 $0x0  }
0x1d: {  	s5 =	simm.s32 @p1 $0x1;
	p0 =	seq.s32 s7, s2  }
0x1e: {  	s7 =	smul.u32 @!p0 $0xF7A, s2;
	p2 =	seq.s32 @!p0 s5, $0x0  }
0x1f: {  	s9 =	smul.u32 $0xF7A, s1;
	s8 =	simm.s32 @!p0 $0x1BF5;
	p2 =	por !p2, p0  }
0x20: {  	[sflag:s8] =	ssyncset.s32 @!p0 $0xFFFFF086;
	s6 =	sadd.s32 @!p0 s3, s7;
	s7 =	simm.s32 @!p0 $0x108  }
0x21: {  	s3 =	sadd.s32 s3, s9;
	s6 =	sadd.s32 @!p0 $0x88, s6;
	s7 =	simm.s32 @p2 $0x1082  }
0x22: {  	[simem:s7], [sflag:s8] =	dma.local @!p0 [hbm:s6], $0xF7A  }
0x23: {  	s9 =	sor.u32 $0xD0000000, s2;
	s6 =	simm.s32 $0x108;
	_ =	swait.ge @!p0 [sflag:s8], $0x0  }
0x24: {  	s3 =	sadd.s32 $0x88, s3;
	s6 =	simm.s32 @!p1 $0x1082;
	[sflag:s4] =	ssyncset.s32 $0xFFFFF086  }
0x25: {  	[simem:s6], [sflag:s4] =	dma.local [hbm:s3], $0xF7A  }
0x26: {  	[smem:$0x3FA0] =	sst s1;
	(tag) =	ssettag s2;
	_ =	strace s9  }
0x27: {  	s1 =	sld [smem:$0x3FB0]  }
0x28: {  	s2 =	sld [smem:$0x3FB1]  }
0x29: {  	s4 =	sld [smem:$0x3FB3]  }
0x2a: {  	p0 =	seq.s32 s5, $0x0;
	s5 =	sld [smem:$0x3FB4]  }
0x2b: {  	s6 =	sld [smem:$0x3FB5]  }
0x2c: {  	s7 =	sld [smem:$0x3FB6]  }
0x2d: {  	s3 =	simm.s32 $0x108;
	s8 =	sld [smem:$0x3FB7]  }
0x2e: {  	s3 =	simm.s32 @!p0 $0x1082;
	s9 =	sld [smem:$0x3FB8]  }
0x2f: {  	lr =	sadd.s32 s0, s3;
	s0 =	sld [smem:$0x3FAF]  }
0x30: {  	s3 =	sld [smem:$0x3FB2]  }
0x31: {  	[smem:$0x3FBB] =	sst s10  }
0x32: {  	s10 =	sld [smem:$0x3FB9];
	_ =	sdelay $0x3  }
0x33: {  	p0 =	seq.s32 s10, $0x1;
	s10 =	sld [smem:$0x3FBB];
	_ =	sdelay $0x3  }
0x34: {  	[smem:$0x3FBB] =	sst s10  }
0x35: {  	s10 =	sld [smem:$0x3FBA];
	_ =	sdelay $0x3  }
0x36: {  	p1 =	seq.s32 s10, $0x1;
	s10 =	sld [smem:$0x3FBB];
	_ =	sdelay $0x3  }
0x37: {  	[smem:$0x3FBB] =	sst s10  }
0x38: {  	s10 =	sld [smem:$0x3FBC]  }
0x39: {  	_ = 	snop;
	(pc) =	sbr.ind lr, $3  }
0x3a: {  	_ = 	snop  }
0x3b: {  	_ = 	snop  }
0x3c: {  	p2 =	seq.s32 s10, $0x1;
	s10 =	sld [smem:$0x3FBB]  }
0x3d: {  	_ =	shalt  }
0x3e: {  	_ =	shalt  }
0x3f: {  	_ =	shalt  }
0x40: {  	_ =	shalt  }
0x41: {  	_ =	shalt  }
0x42: {  	_ =	shalt  }
0x43: {  	_ =	shalt  }
0x44: {  	_ =	shalt  }
0x45: {  	_ =	shalt  }
0x46: {  	_ =	shalt  }
0x47: {  	_ =	shalt  }
0x48: {  	_ =	shalt  }
0x49: {  	_ =	shalt  }
0x4a: {  	_ =	shalt  }
0x4b: {  	_ =	shalt  }
0x4c: {  	_ =	shalt  }
0x4d: {  	_ =	shalt  }
0x4e: {  	_ =	shalt  }
0x4f: {  	_ =	shalt  }
0x50: {  	_ =	shalt  }
0x51: {  	_ =	shalt  }
0x52: {  	_ =	shalt  }
0x53: {  	_ =	shalt  }
0x54: {  	_ =	shalt  }
0x55: {  	_ =	shalt  }
0x56: {  	_ =	shalt  }
0x57: {  	_ =	shalt  }
0x58: {  	_ =	shalt  }
0x59: {  	_ =	shalt  }
0x5a: {  	_ =	shalt  }
0x5b: {  	_ =	shalt  }
0x5c: {  	_ =	shalt  }
0x5d: {  	_ =	shalt  }
0x5e: {  	_ =	shalt  }
0x5f: {  	_ =	shalt  }
0x60: {  	_ =	shalt  }
0x61: {  	_ =	shalt  }
0x62: {  	_ =	shalt  }
0x63: {  	_ =	shalt  }
0x64: {  	_ =	shalt  }
0x65: {  	_ =	shalt  }
0x66: {  	_ =	shalt  }
0x67: {  	_ =	shalt  }
0x68: {  	_ =	shalt  }
0x69: {  	_ =	shalt  }
0x6a: {  	_ =	shalt  }
0x6b: {  	_ =	shalt  }
0x6c: {  	_ =	shalt  }
0x6d: {  	_ =	shalt  }
0x6e: {  	_ =	shalt  }
0x6f: {  	_ =	shalt  }
0x70: {  	_ =	shalt  }
0x71: {  	_ =	shalt  }
0x72: {  	_ =	shalt  }
0x73: {  	_ =	shalt  }
0x74: {  	_ =	shalt  }
0x75: {  	_ =	shalt  }
0x76: {  	_ =	shalt  }
0x77: {  	_ =	shalt  }
0x78: {  	_ =	shalt  }
0x79: {  	_ =	shalt  }
0x7a: {  	_ =	shalt  }
0x7b: {  	_ =	shalt  }
0x7c: {  	_ =	shalt  }
0x7d: {  	_ =	shalt  }
0x7e: {  	_ =	shalt  }
0x7f: {  	_ =	shalt  }
0x80: {  	_ =	shalt  }
0x81: {  	_ =	shalt  }
0x82: {  	_ =	shalt  }
0x83: {  	_ =	shalt  }
0x84: {  	_ =	shalt  }
0x85: {  	_ =	shalt  }
0x86: {  	_ =	shalt  }
0x87: {  	_ =	shalt  }
.Lfunc_end0:
.L_simem_size_0:
called_computation_lowered:
.L_overlay_start_0:
0x88: {  	s2 =	sld [smem:$0x3FD9]  }
0x89: {  	s3 =	sld [smem:$0x3FFE];
	_ =	sdelay $0x1  }
0x8a: {  	s1 =	srdreg.scid  }
0x8b: {  	s0 =	sand.u32 $0x1, s1  }
0x8c: {  	s17 =	sshll.u32 s0, $0xA;
	s2 =	sadd.s32 s3, s2  }
0x8d: {  	s2 =	sadd.s32 s2, s17  }
0x8e: {  	[smem:$0x3FC7] =	sst s2  }
0x8f: {  	_ = 	snop  }
0x90: {  	s2 =	sld [smem:$0x3FC9];
	(tm) =	ssettm $0x1  }
0x91: {  	s18 =	sld [smem:$0x3FFB];
	_ =	sdelay $0x3  }
0x92: {  	_ =	strace s18  }
0x93: {  	s3 =	sld [smem:$0x3FFC];
	_ =	sdelay $0x3  }
0x94: {  	_ =	strace s3  }
0x95: {  	s3 =	sld [smem:$0x3FFD];
	_ =	sdelay $0x3  }
0x96: {  	_ =	strace s3  }
0x97: {  	_ =	strace $0x8FFFFFFF  }
0x98: {  	s19 =	sld [smem:$0x3FDB];
	_ =	sdelay $0x1  }
0x99: {  	s4 =	simm.s32 $_scs_section_size  }
0x9a: {  	s5 =	simm.s32 $_size__tile_overlayer_lowered;
	s6 =	simm.s32 $_tile_overlayer_lowered  }
0x9b: {  	s22 =	simm.s32 $0x1BFF;
	s21 =	sshll.u32 s6, $0x1;
	s3 =	sadd.s32 s4, s19  }
0x9c: {  	s7 =	simm.s32 $0x0;
	s20 =	sshll.u32 s5, $0x1;
	s5 =	sadd.s32 s21, s3  }
0x9d: {  	[timem:s7], [sflag:s22] =	dma.local [hbm:s5], s20  }
0x9e: {  	_ =	swait.ge [sflag:s22], s20  }
0x9f: {  	s4 =	ssub.s32 $0x0, s20;
	[sflag:s22] =	ssyncset.done $0x0  }
0xa0: {  	[sflag:s22] =	ssyncadd.s32 s4;
	_ =	sdelay $0x1  }
0xa1: {  	s23 =	simm.s32 $0x1B8B  }
0xa2: {  	_ =	swait.ge [sflag:s23], $0x1  }
0xa3: {  	[sflag:s23] =	ssyncset.done $0x0  }
0xa4: {  	s25 =	simm.s32 $0x1B8E;
	s24 =	sld [smem:$0x3FFE];
	[sflag:s23] =	ssyncadd.s32 $0xFFFFFFFF  }
0xa5: {  	s26 =	simm.s32 $execute0_lowered;
	[smem:$0x3FD2] =	sst s25  }
0xa6: {  	s5 =	sshll.u32 s26, $0x1;
	_ =	strace $0x80000046;
	[dreg:$0x1] =	wrdreg $0xFFFFFFFF  }
0xa7: {  	s28 =	simm.s32 $_size_execute0_lowered;
	s3 =	sadd.s32 s3, s5;
	[dreg:$0x0] =	wrdreg $0x0  }
0xa8: {  	s5 =	sshll.u32 s28, $0x1;
	[dreg:$0x2] =	wrdreg s3  }
0xa9: {  	[dreg:$0x3] =	wrdreg s5  }
0xaa: {  	[dreg:$0x4] =	wrdreg $0xC0  }
0xab: {  	_ =	task [dreg:s7], $0x5FFFF  }
0xac: {  	[dreg:$0x1] =	wrdreg $0xFFFFFFFF  }
0xad: {  	[dreg:$0x0] =	wrdreg $0x60  }
0xae: {  	[dreg:$0x2] =	wrdreg s2  }
0xaf: {  	[dreg:$0x3] =	wrdreg s24  }
0xb0: {  	[dreg:$0x4] =	wrdreg $0x9  }
0xb1: {  	_ =	task.clear_ibuf [dreg:s7], $0x5FFFF;
	_ =	strace $0x90000046  }
0xb2: {  	s29 =	simm.s32 $0x9;
	_ =	strace $0x80000048  }
0xb3: {  	_ =	swait.ge [sflag:s29], $0x1  }
0xb4: {  	[sflag:s29] =	ssyncadd.s32 $0xFFFFFFFF  }
0xb5: {  	_ =	strace $0x90000048  }
0xb6: {  	_ =	sfence  }
0xb7: {  	s30 =	sld [smem:$0x0];
	_ =	sdelay $0x2  }
0xb8: {  	s31 =	sshll.u32 s1, $0xD;
	s1 =	sshrl.u32 s1, $0x2  }
0xb9: {  	s3 =	sand.u32 $0x4000, s31;
	s1 =	sadd.s32 s1, s30  }
0xba: {  	s0 =	sor.u32 s3, s0;
	s1 =	sshll.u32 s1, $0x11  }
0xbb: {  	s0 =	sor.u32 s1, s0  }
0xbc: {  	s0 =	sadd.s32 $0x8F2B, s0  }
0xbd: {  	[sflag:s0] =	ssyncadd.remote.s32 $0x1  }
0xbe: {  	_ =	sfence.sel $0xFFFF  }
0xbf: {  	[dreg:$0x0] =	wrdreg $0xFFFFFFFF;
	(pc) =	sbr.abs _section_cstart, $3  }
0xc0: {  	[dreg:$0x1] =	wrdreg $0xFFFFFFFF  }
0xc1: {  	_ =	task.clear_ibuf [dreg:s7], $0x2FFFF;
	_ =	strace $0x9FFFFFFF  }
0xc2: {  	(tm) =	ssettm $0x7FFFFFFF  }
0xc3: {  	_ =	shalt  }
tec
execute0_lowered:
.L_overlay_start_1:
0x0: {  	(tag) =	ssettag $0x1  }
0x1: {  	v0 =	vimm.s32 $0x3800;
	vm0 =	vcmask $0x300  }
0x2: {  	v0 =	vsel vm0, $0x0, v0;
	vm0 =	vcmask $0x704  }
0x3: {  	v0 =	vsel vm0, $0x400, v0;
	vm0 =	vcmask $0xB08  }
0x4: {  	v0 =	vsel vm0, $0x800, v0;
	vm0 =	vcmask $0xF0C  }
0x5: {  	s1 =	rddreg [dreg:$0x0];
	v0 =	vsel vm0, $0xC00, v0;
	vm0 =	vcmask $0x1310  }
0x6: {  	s3 =	rddreg [dreg:$0x1];
	v0 =	vsel vm0, $0x1000, v0;
	vm0 =	vcmask $0x1714  }
0x7: {  	s0 =	rddreg [dreg:$0x2];
	s2 =	simm.s32 $0x0;
	s4 =	srdreg.scid;
	v0 =	vsel vm0, $0x1400, v0;
	vm0 =	vcmask $0x1B18  }
0x8: {  	s11 =	simm.s32 $0x1080;
	s12 =	simm.s32 $0x3;
	s13 =	simm.s32 $0x0;
	v0 =	vsel vm0, $0x1800, v0;
	vm0 =	vcmask $0x1F1C  }
0x9: {  	[smem:$0x7FF] =	sst s2;
	s5 =	sadd.s32 $0x400, s3;
	s4 =	sand.u32 $0x1, s4;
	v0 =	vsel vm0, $0x1C00, v0;
	vm0 =	vcmask $0x2320  }
0xa: {  	s3 =	stileid.u32;
	_ =	strace $0x80000047;
	s6 =	ssub.s32 $0x2, s4;
	v0 =	vsel vm0, $0x2000, v0;
	vm0 =	vcmask $0x2724  }
0xb: {  	v1 =	vimm.s32 $0xEDCBA987;
	s7 =	sshll.u32 s3, $0x2;
	s4 =	sshll.u32 s4, $0x1;
	s30 =	sshll.u32 s3, $0x6;
	v0 =	vsel vm0, $0x2400, v0;
	vm0 =	vcmask $0x2B28  }
0xc: {  	v2 =	vimm.s32 $0x65432100;
	s8 =	sshrl.u32 s6, $0x1;
	s4 =	sor.u32 s4, s7;
	s10 =	sand.u32 $0x380, s30;
	v0 =	vsel vm0, $0x2800, v0;
	vm0 =	vcmask $0x2F2C  }
0xd: {  	v1 =	vunpack.c.l.s4.s8 v1;
	s6 =	ssub.s32 s6, s8;
	s31 =	sor.u32 $0x1, s4;
	s9 =	sor.u32 s30, s4;
	v0 =	vsel vm0, $0x2C00, v0;
	vm0 =	vcmask $0x3330  }
.Ltmp0:
0xe: {  	v2 =	vunpack.c.l.s4.s8 v2;
	s4 =	sshll.u32 s4, $0x4;
	s7 =	sor.u32 s30, s31;
	v0 =	vsel vm0, $0x3000, v0;
	vm0 =	vcmask $0x3734;
	(pc) =	sbr.rel .LBB2_1-.Ltmp0, $4  }
0xf: {  	v4 =	vunpack.c.0.s8.s32 v1;
	s9 =	sand.u32 $0x386, s9;
	s8 =	sshll.u32 s31, $0x4;
	s7 =	sand.u32 $0x387, s7;
	v3 =	vsel vm0, $0x3400, v0  }
0x10: {  	s4 =	sadd.s32 s5, s4;
	s5 =	sadd.s32 s5, s10;
	s8 =	sand.u32 $0x70, s8;
	v0 =	vor.u32 s9, v3;
	v1 =	vor.u32 s7, v3;
	v3 =	vunpack.c.0.s8.s32 v2  }
0x11: {  	vm1 =	vmmov $0x1;
	s6 =	smax.u32 s6, $0x1;
	v4 =	vand.u32 $0xF, v4;
	s10 =	simm.s32 $0x2;
	s5 =	sadd.s32 s8, s5;
	vm0 =	vmmov $0xffff  }
0x12: {  	s8 =	simm.s32 $0x1;
	s7 =	simm.s32 $0x800;
	v2 =	vimm.s32 $0x0;
	s9 =	simm.s32 $0x1000;
	v3 =	vcombine.low v3, v4;
	v4 =	vimm.s32 $0xF  }
.LBB2_13:
0x13: {  	[hbm4b:s5+s2] =	stream.linear.scatter [tilespmem:s11], [sflag:$0x3], $0x80, $0x38;
	[tilespmem:$0x1100] =	vst v63  }
0x14: {  	s13 =	sadd.s32 $0x1, s13  }
0x15: {  	_ =	swait.ge [sflag:s12], $0x80;
	p0 =	sne.s32 s13, s6  }
.Ltmp1:
0x16: {  	[sflag:s12] =	ssyncset.done $0x0;
	(pc) =	sbr.rel @!p0 .LBB2_14-.Ltmp1, $4  }
0x17: {  	[sflag:s12] =	ssyncadd.s32 $0xFFFFFF80  }
0x18: {  	_ =	swait.ge [sflag:s12], $0x80  }
0x19: {  	[sflag:s12] =	ssyncset.done $0x0  }
0x1a: {  	[sflag:s12] =	ssyncadd.s32 $0xFFFFFF80  }
.LBB2_1:
0x1b: {  	_ =	sdelay $0x3  }
0x1c: {  	[tilespmem:s2], [sflag:$0x1] =	stream.indirect_vreg.gather [hbm4b:s1+s2], $0x80, v0, vm0, $0xb8;
	[tilespmem:$0x1100] =	vst v63  }
0x1d: {  	_ = 	snop  }
0x1e: {  	v5 =	vimm.s32 $0xFFFFFFFF;
	[tilespmem:s7], [sflag:$0x2] =	stream.indirect_vreg.gather [hbm4b:s1+s2], $0x80, v1, vm0, $0xb8;
	[tilespmem:$0x1100] =	vst v63  }
0x1f: {  	[tilespmem:$0x1000] =	vst v5  }
0x20: {  	[tilespmem:$0x1080] =	vst v5  }
0x21: {  	[tilespmem:$0x1008] =	vst v5  }
0x22: {  	[tilespmem:$0x1088] =	vst v5  }
0x23: {  	_ =	swait.ge [sflag:s8], $0x800  }
0x24: {  	s15 =	simm.s32 $0x380;
	[sflag:s8] =	ssyncset.done $0x0  }
0x25: {  	s14 =	simm.s32 $0x0;
	s16 =	simm.s32 $0x0;
	[sflag:s8] =	ssyncadd.s32 $0xFFFFF800  }
.LBB2_2:
0x26: {  	v6 =	vld [tilespmem:s15+$0xFFFFFC80]  }
0x27: {  	v7 =	vld [tilespmem:s15+$0xFFFFFD00];
	_ =	sdelay $0x1  }
0x28: {  	v8 =	vld [tilespmem:s15+$0xFFFFFD80];
	_ =	sdelay $0x1  }
0x29: {  	v9 =	vld [tilespmem:s15+$0xFFFFFE00]  }
0x2a: {  	vm2 =	vgt.f32 v7, v6  }
0x2b: {  	v6 =	vsel vm2, v7, v6;
	v7 =	vld [tilespmem:s15+$0xFFFFFE80]  }
0x2c: {  	vm3 =	vgt.f32 v8, v6  }
0x2d: {  	v56 =	vld [tilespmem:s15+$0xFFFFFF00];
	v6 =	vsel vm3, v8, v6  }
0x2e: {  	vm4 =	vgt.f32 v9, v6  }
0x2f: {  	v57 =	vld [tilespmem:s15+$0xFFFFFF80];
	v6 =	vsel vm4, v9, v6  }
0x30: {  	vm5 =	vgt.f32 v7, v6  }
0x31: {  	v6 =	vsel vm5, v7, v6;
	v7 =	vld [tilespmem:s15+$0x0]  }
0x32: {  	vm6 =	vgt.f32 v56, v6  }
0x33: {  	v58 =	vld [tilespmem:s15+$0x80];
	v6 =	vsel vm6, v56, v6  }
0x34: {  	vm7 =	vgt.f32 v57, v6  }
0x35: {  	v59 =	vld [tilespmem:s15+$0x100];
	v6 =	vsel vm7, v57, v6  }
0x36: {  	vm8 =	vgt.f32 v7, v6  }
0x37: {  	v6 =	vsel vm8, v7, v6;
	v7 =	vld [tilespmem:s15+$0x180]  }
0x38: {  	v10 =	vsel vm2, $0x1, v2;
	vm2 =	vgt.f32 v58, v6  }
0x39: {  	v60 =	vld [tilespmem:s15+$0x200];
	v10 =	vsel vm3, $0x2, v10;
	v6 =	vsel vm2, v58, v6  }
0x3a: {  	v10 =	vsel vm4, $0x3, v10;
	vm3 =	vgt.f32 v59, v6  }
0x3b: {  	v61 =	vld [tilespmem:s15+$0x280];
	v10 =	vsel vm5, $0x4, v10;
	v6 =	vsel vm3, v59, v6  }
0x3c: {  	v10 =	vsel vm6, $0x5, v10;
	vm14 =	vgt.f32 v7, v6  }
0x3d: {  	v10 =	vsel vm7, $0x6, v10;
	v6 =	vsel vm14, v7, v6;
	v7 =	vld [tilespmem:s15+$0x300]  }
0x3e: {  	v10 =	vsel vm8, $0x7, v10;
	vm15 =	vgt.f32 v60, v6  }
0x3f: {  	v62 =	vld [tilespmem:s15+$0x380];
	v10 =	vsel vm2, $0x8, v10;
	v6 =	vsel vm15, v60, v6  }
0x40: {  	v10 =	vsel vm3, $0x9, v10;
	vm2 =	vgt.f32 v61, v6  }
0x41: {  	v10 =	vsel vm14, $0xA, v10;
	v6 =	vsel vm2, v61, v6  }
0x42: {  	v63 =	vsel vm15, $0xB, v10;
	vm3 =	vgt.f32 v7, v6  }
0x43: {  	v6 =	vsel vm3, v7, v6;
	v7 =	vsel vm2, $0xC, v63  }
0x44: {  	v7 =	vsel vm3, $0xD, v7;
	vm2 =	vgt.f32 v62, v6  }
0x45: {  	v6 =	vsel vm2, $0xE, v7  }
0x46: {  	v7 =	vperm.xlane v6, v3;
	_ =	sdelay $0x1  }
0x47: {  	v5 =	vsel vm1, v5, v7  }
0x48: {  	vm3 =	vne.s32 v6, $0xE;
	vm2 =	vne.s32 v6, v5  }
0x49: {  	vm2 =	vmand vm2, vm3  }
0x4a: {  	v5 =	vsel vm2, $0x1, v2  }
0x4b: {  	(xrf0) =	vadd.scan.msk.s32 $0xffff, v5;
	_ =	sdelay $0x5  }
0x4c: {  	v5, _, _ =	vpop (xrf0)  }
0x4d: {  	(v2sf) =	vpush v5, $0xF;
	_ =	sdelay $0xa  }
0x4e: {  	v7 =	vmov s14  }
0x4f: {  	v7 =	vadd.s32 $0xFFFFFFFF, v7  }
0x50: {  	v7 =	vbroadcast v7, $0x0;
	_ =	sdelay $0x1  }
0x51: {  	v5 =	vadd.s32 v5, v7;
	s17 =	spop (v2sf)  }
0x52: {  	p0 =	sgt.u32 s16, $0x6;
	vm3 =	vlt.s32 v5, $0x14;
	s14 =	sadd.s32 s14, s17  }
0x53: {  	vm2 =	vmand vm2, vm3;
	p1 =	slt.s32 @!p0 s14, $0x14  }
0x54: {  	v5 =	vnsel vm3, $0x14, v5;
	p0 =	por p0, !p1  }
.Ltmp2:
0x55: {  	_ = 	snop;
	(pc) =	sbr.rel @!p0 .LBB2_2-.Ltmp2, $2  }
0x56: {  	_ =	sdelay $0x2  }
0x57: {  	s16 =	sadd.s32 $0x1, s16;
	s15 =	sadd.s32 $0x10, s15;
	[tilespmem:v5+s9+$0x0] =	vst.idx.msk vm2, v6;
	v5 =	vperm.xlane v6, v4  }
0x58: {  	p0 =	slt.s32 s14, $0x14  }
.Ltmp3:
0x59: {  	_ = 	snop;
	(pc) =	sbr.rel @!p0 .LBB2_7-.Ltmp3, $2  }
0x5a: {  	_ =	sdelay $0x2  }
0x5b: {  	s15 =	simm.s32 $0x1  }
.LBB2_4:
0x5c: {  	s16 =	sshll.u32 s15, $0x3  }
0x5d: {  	v6 =	vor.u32 s16, v0;
	_ =	sdelay $0x3  }
0x5e: {  	s17 =	simm.s32 $0x0  }
0x5f: {  	[tilespmem:s17], [sflag:$0x1] =	stream.indirect_vreg.gather [hbm4b:s1+s17], $0x80, v6, vm0, $0xb8;
	[tilespmem:$0x1100] =	vst v63  }
0x60: {  	_ =	swait.ge [sflag:s8], $0x800  }
0x61: {  	[sflag:s8] =	ssyncset.done $0x0  }
0x62: {  	s16 =	simm.s32 $0x380;
	[sflag:s8] =	ssyncadd.s32 $0xFFFFF800  }
.LBB2_5:
0x63: {  	v6 =	vld [tilespmem:s16+$0xFFFFFC80]  }
0x64: {  	v7 =	vld [tilespmem:s16+$0xFFFFFD00];
	_ =	sdelay $0x1  }
0x65: {  	v8 =	vld [tilespmem:s16+$0xFFFFFD80];
	_ =	sdelay $0x1  }
0x66: {  	v9 =	vld [tilespmem:s16+$0xFFFFFE00]  }
0x67: {  	vm2 =	vgt.f32 v7, v6  }
0x68: {  	v6 =	vsel vm2, v7, v6;
	v7 =	vld [tilespmem:s16+$0xFFFFFE80]  }
0x69: {  	vm3 =	vgt.f32 v8, v6  }
0x6a: {  	v56 =	vld [tilespmem:s16+$0xFFFFFF00];
	v6 =	vsel vm3, v8, v6  }
0x6b: {  	vm4 =	vgt.f32 v9, v6  }
0x6c: {  	v57 =	vld [tilespmem:s16+$0xFFFFFF80];
	v6 =	vsel vm4, v9, v6  }
0x6d: {  	vm5 =	vgt.f32 v7, v6  }
0x6e: {  	v6 =	vsel vm5, v7, v6;
	v7 =	vld [tilespmem:s16+$0x0]  }
0x6f: {  	vm6 =	vgt.f32 v56, v6  }
0x70: {  	v58 =	vld [tilespmem:s16+$0x80];
	v6 =	vsel vm6, v56, v6  }
0x71: {  	vm7 =	vgt.f32 v57, v6  }
0x72: {  	v59 =	vld [tilespmem:s16+$0x100];
	v6 =	vsel vm7, v57, v6  }
0x73: {  	vm8 =	vgt.f32 v7, v6  }
0x74: {  	v6 =	vsel vm8, v7, v6;
	v7 =	vld [tilespmem:s16+$0x180]  }
0x75: {  	v10 =	vsel vm2, $0x1, v2;
	vm2 =	vgt.f32 v58, v6  }
0x76: {  	v60 =	vld [tilespmem:s16+$0x200];
	v10 =	vsel vm3, $0x2, v10;
	v6 =	vsel vm2, v58, v6  }
0x77: {  	v10 =	vsel vm4, $0x3, v10;
	vm3 =	vgt.f32 v59, v6  }
0x78: {  	v61 =	vld [tilespmem:s16+$0x280];
	v10 =	vsel vm5, $0x4, v10;
	v6 =	vsel vm3, v59, v6  }
0x79: {  	v10 =	vsel vm6, $0x5, v10;
	vm14 =	vgt.f32 v7, v6  }
0x7a: {  	v10 =	vsel vm7, $0x6, v10;
	v6 =	vsel vm14, v7, v6;
	v7 =	vld [tilespmem:s16+$0x300]  }
0x7b: {  	v10 =	vsel vm8, $0x7, v10;
	vm15 =	vgt.f32 v60, v6  }
0x7c: {  	v62 =	vld [tilespmem:s16+$0x380];
	v10 =	vsel vm2, $0x8, v10;
	v6 =	vsel vm15, v60, v6  }
0x7d: {  	v10 =	vsel vm3, $0x9, v10;
	vm2 =	vgt.f32 v61, v6  }
0x7e: {  	v10 =	vsel vm14, $0xA, v10;
	v6 =	vsel vm2, v61, v6  }
0x7f: {  	v63 =	vsel vm15, $0xB, v10;
	vm3 =	vgt.f32 v7, v6  }
0x80: {  	v6 =	vsel vm3, v7, v6;
	v7 =	vsel vm2, $0xC, v63  }
0x81: {  	v7 =	vsel vm3, $0xD, v7;
	vm2 =	vgt.f32 v62, v6  }
0x82: {  	v6 =	vsel vm2, $0xE, v7  }
0x83: {  	v7 =	vperm.xlane v6, v3;
	_ =	sdelay $0x1  }
0x84: {  	v5 =	vsel vm1, v5, v7  }
0x85: {  	vm3 =	vne.s32 v6, $0xE;
	vm2 =	vne.s32 v6, v5  }
0x86: {  	vm2 =	vmand vm2, vm3  }
0x87: {  	v5 =	vsel vm2, $0x1, v2  }
0x88: {  	(xrf0) =	vadd.scan.msk.s32 $0xffff, v5;
	_ =	sdelay $0x5  }
0x89: {  	v5, _, _ =	vpop (xrf0)  }
0x8a: {  	(v2sf) =	vpush v5, $0xF;
	_ =	sdelay $0xa  }
0x8b: {  	v7 =	vmov s14  }
0x8c: {  	v7 =	vadd.s32 $0xFFFFFFFF, v7  }
0x8d: {  	v7 =	vbroadcast v7, $0x0;
	_ =	sdelay $0x1  }
0x8e: {  	v5 =	vadd.s32 v5, v7;
	s18 =	spop (v2sf)  }
0x8f: {  	p0 =	sgt.u32 s17, $0x6;
	vm3 =	vlt.s32 v5, $0x14;
	s14 =	sadd.s32 s14, s18  }
0x90: {  	vm2 =	vmand vm2, vm3;
	p1 =	slt.s32 @!p0 s14, $0x14  }
0x91: {  	v5 =	vnsel vm3, $0x14, v5;
	p0 =	por p0, !p1  }
.Ltmp4:
0x92: {  	_ = 	snop;
	(pc) =	sbr.rel @!p0 .LBB2_5-.Ltmp4, $2  }
0x93: {  	_ =	sdelay $0x2  }
0x94: {  	s17 =	sadd.s32 $0x1, s17;
	s16 =	sadd.s32 $0x10, s16;
	[tilespmem:v5+s9+$0x0] =	vst.idx.msk vm2, v6;
	v5 =	vperm.xlane v6, v4  }
0x95: {  	p0 =	sgt.u32 s15, $0xE  }
0x96: {  	p1 =	slt.s32 @!p0 s14, $0x14  }
0x97: {  	p0 =	por p0, !p1  }
.Ltmp5:
0x98: {  	_ = 	snop;
	(pc) =	sbr.rel @!p0 .LBB2_4-.Ltmp5, $2  }
0x99: {  	_ =	sdelay $0x2  }
0x9a: {  	s15 =	sadd.s32 $0x1, s15  }
.LBB2_7:
0x9b: {  	s14 =	simm.s32 $0x0  }
0x9c: {  	[hbm4b:s4+s14] =	stream.linear.scatter [tilespmem:s9], [sflag:$0x3], $0x80, $0x38;
	[tilespmem:$0x1100] =	vst v63  }
0x9d: {  	_ =	swait.ge [sflag:s10], $0x800  }
0x9e: {  	[sflag:s10] =	ssyncset.done $0x0  }
0x9f: {  	v5 =	vimm.s32 $0xFFFFFFFF;
	s15 =	simm.s32 $0xB80;
	s16 =	simm.s32 $0x0;
	[sflag:s10] =	ssyncadd.s32 $0xFFFFF800  }
.LBB2_8:
0xa0: {  	v6 =	vld [tilespmem:s15+$0xFFFFFC80]  }
0xa1: {  	v7 =	vld [tilespmem:s15+$0xFFFFFD00];
	_ =	sdelay $0x1  }
0xa2: {  	v8 =	vld [tilespmem:s15+$0xFFFFFD80];
	_ =	sdelay $0x1  }
0xa3: {  	v9 =	vld [tilespmem:s15+$0xFFFFFE00]  }
0xa4: {  	vm2 =	vgt.f32 v7, v6  }
0xa5: {  	v6 =	vsel vm2, v7, v6;
	v7 =	vld [tilespmem:s15+$0xFFFFFE80]  }
0xa6: {  	vm3 =	vgt.f32 v8, v6  }
0xa7: {  	v56 =	vld [tilespmem:s15+$0xFFFFFF00];
	v6 =	vsel vm3, v8, v6  }
0xa8: {  	vm4 =	vgt.f32 v9, v6  }
0xa9: {  	v57 =	vld [tilespmem:s15+$0xFFFFFF80];
	v6 =	vsel vm4, v9, v6  }
0xaa: {  	vm5 =	vgt.f32 v7, v6  }
0xab: {  	v6 =	vsel vm5, v7, v6;
	v7 =	vld [tilespmem:s15+$0x0]  }
0xac: {  	vm6 =	vgt.f32 v56, v6  }
0xad: {  	v58 =	vld [tilespmem:s15+$0x80];
	v6 =	vsel vm6, v56, v6  }
0xae: {  	vm7 =	vgt.f32 v57, v6  }
0xaf: {  	v59 =	vld [tilespmem:s15+$0x100];
	v6 =	vsel vm7, v57, v6  }
0xb0: {  	vm8 =	vgt.f32 v7, v6  }
0xb1: {  	v6 =	vsel vm8, v7, v6;
	v7 =	vld [tilespmem:s15+$0x180]  }
0xb2: {  	v10 =	vsel vm2, $0x1, v2;
	vm2 =	vgt.f32 v58, v6  }
0xb3: {  	v60 =	vld [tilespmem:s15+$0x200];
	v10 =	vsel vm3, $0x2, v10;
	v6 =	vsel vm2, v58, v6  }
0xb4: {  	v10 =	vsel vm4, $0x3, v10;
	vm3 =	vgt.f32 v59, v6  }
0xb5: {  	v61 =	vld [tilespmem:s15+$0x280];
	v10 =	vsel vm5, $0x4, v10;
	v6 =	vsel vm3, v59, v6  }
0xb6: {  	v10 =	vsel vm6, $0x5, v10;
	vm14 =	vgt.f32 v7, v6  }
0xb7: {  	v10 =	vsel vm7, $0x6, v10;
	v6 =	vsel vm14, v7, v6;
	v7 =	vld [tilespmem:s15+$0x300]  }
0xb8: {  	v10 =	vsel vm8, $0x7, v10;
	vm15 =	vgt.f32 v60, v6  }
0xb9: {  	v62 =	vld [tilespmem:s15+$0x380];
	v10 =	vsel vm2, $0x8, v10;
	v6 =	vsel vm15, v60, v6  }
0xba: {  	v10 =	vsel vm3, $0x9, v10;
	vm2 =	vgt.f32 v61, v6  }
0xbb: {  	v10 =	vsel vm14, $0xA, v10;
	v6 =	vsel vm2, v61, v6  }
0xbc: {  	v63 =	vsel vm15, $0xB, v10;
	vm3 =	vgt.f32 v7, v6  }
0xbd: {  	v6 =	vsel vm3, v7, v6;
	v7 =	vsel vm2, $0xC, v63  }
0xbe: {  	v7 =	vsel vm3, $0xD, v7;
	vm2 =	vgt.f32 v62, v6  }
0xbf: {  	v6 =	vsel vm2, $0xE, v7  }
0xc0: {  	v7 =	vperm.xlane v6, v3;
	_ =	sdelay $0x1  }
0xc1: {  	v5 =	vsel vm1, v5, v7  }
0xc2: {  	vm3 =	vne.s32 v6, $0xE;
	vm2 =	vne.s32 v6, v5  }
0xc3: {  	vm2 =	vmand vm2, vm3  }
0xc4: {  	v5 =	vsel vm2, $0x1, v2  }
0xc5: {  	(xrf0) =	vadd.scan.msk.s32 $0xffff, v5;
	_ =	sdelay $0x5  }
0xc6: {  	v5, _, _ =	vpop (xrf0)  }
0xc7: {  	(v2sf) =	vpush v5, $0xF;
	_ =	sdelay $0xa  }
0xc8: {  	v7 =	vmov s14  }
0xc9: {  	v7 =	vadd.s32 $0xFFFFFFFF, v7  }
0xca: {  	v7 =	vbroadcast v7, $0x0;
	_ =	sdelay $0x1  }
0xcb: {  	v5 =	vadd.s32 v5, v7;
	s17 =	spop (v2sf)  }
0xcc: {  	p0 =	sgt.u32 s16, $0x6;
	vm3 =	vlt.s32 v5, $0x14;
	s14 =	sadd.s32 s14, s17  }
0xcd: {  	vm2 =	vmand vm2, vm3;
	p1 =	slt.s32 @!p0 s14, $0x14  }
0xce: {  	v5 =	vnsel vm3, $0x14, v5;
	p0 =	por p0, !p1  }
.Ltmp6:
0xcf: {  	_ = 	snop;
	(pc) =	sbr.rel @!p0 .LBB2_8-.Ltmp6, $2  }
0xd0: {  	_ =	sdelay $0x2  }
0xd1: {  	s16 =	sadd.s32 $0x1, s16;
	s15 =	sadd.s32 $0x10, s15;
	[tilespmem:v5+s11+$0x0] =	vst.idx.msk vm2, v6;
	v5 =	vperm.xlane v6, v4  }
0xd2: {  	p0 =	slt.s32 s14, $0x14  }
.Ltmp7:
0xd3: {  	_ = 	snop;
	(pc) =	sbr.rel @!p0 .LBB2_13-.Ltmp7, $2  }
0xd4: {  	_ =	sdelay $0x2  }
0xd5: {  	s15 =	simm.s32 $0x1  }
.LBB2_10:
0xd6: {  	s16 =	sshll.u32 s15, $0x3  }
0xd7: {  	v6 =	vor.u32 s16, v1;
	_ =	sdelay $0x3  }
0xd8: {  	s17 =	simm.s32 $0x0  }
0xd9: {  	[tilespmem:s7], [sflag:$0x2] =	stream.indirect_vreg.gather [hbm4b:s1+s17], $0x80, v6, vm0, $0xb8;
	[tilespmem:$0x1100] =	vst v63  }
0xda: {  	_ =	swait.ge [sflag:s10], $0x800  }
0xdb: {  	[sflag:s10] =	ssyncset.done $0x0  }
0xdc: {  	s16 =	simm.s32 $0xB80;
	[sflag:s10] =	ssyncadd.s32 $0xFFFFF800  }
.LBB2_11:
0xdd: {  	v6 =	vld [tilespmem:s16+$0xFFFFFC80]  }
0xde: {  	v7 =	vld [tilespmem:s16+$0xFFFFFD00];
	_ =	sdelay $0x1  }
0xdf: {  	v8 =	vld [tilespmem:s16+$0xFFFFFD80];
	_ =	sdelay $0x1  }
0xe0: {  	v9 =	vld [tilespmem:s16+$0xFFFFFE00]  }
0xe1: {  	vm2 =	vgt.f32 v7, v6  }
0xe2: {  	v6 =	vsel vm2, v7, v6;
	v7 =	vld [tilespmem:s16+$0xFFFFFE80]  }
0xe3: {  	vm3 =	vgt.f32 v8, v6  }
0xe4: {  	v56 =	vld [tilespmem:s16+$0xFFFFFF00];
	v6 =	vsel vm3, v8, v6  }
0xe5: {  	vm4 =	vgt.f32 v9, v6  }
0xe6: {  	v57 =	vld [tilespmem:s16+$0xFFFFFF80];
	v6 =	vsel vm4, v9, v6  }
0xe7: {  	vm5 =	vgt.f32 v7, v6  }
0xe8: {  	v6 =	vsel vm5, v7, v6;
	v7 =	vld [tilespmem:s16+$0x0]  }
0xe9: {  	vm6 =	vgt.f32 v56, v6  }
0xea: {  	v58 =	vld [tilespmem:s16+$0x80];
	v6 =	vsel vm6, v56, v6  }
0xeb: {  	vm7 =	vgt.f32 v57, v6  }
0xec: {  	v59 =	vld [tilespmem:s16+$0x100];
	v6 =	vsel vm7, v57, v6  }
0xed: {  	vm8 =	vgt.f32 v7, v6  }
0xee: {  	v6 =	vsel vm8, v7, v6;
	v7 =	vld [tilespmem:s16+$0x180]  }
0xef: {  	v10 =	vsel vm2, $0x1, v2;
	vm2 =	vgt.f32 v58, v6  }
0xf0: {  	v60 =	vld [tilespmem:s16+$0x200];
	v10 =	vsel vm3, $0x2, v10;
	v6 =	vsel vm2, v58, v6  }
0xf1: {  	v10 =	vsel vm4, $0x3, v10;
	vm3 =	vgt.f32 v59, v6  }
0xf2: {  	v61 =	vld [tilespmem:s16+$0x280];
	v10 =	vsel vm5, $0x4, v10;
	v6 =	vsel vm3, v59, v6  }
0xf3: {  	v10 =	vsel vm6, $0x5, v10;
	vm14 =	vgt.f32 v7, v6  }
0xf4: {  	v10 =	vsel vm7, $0x6, v10;
	v6 =	vsel vm14, v7, v6;
	v7 =	vld [tilespmem:s16+$0x300]  }
0xf5: {  	v10 =	vsel vm8, $0x7, v10;
	vm15 =	vgt.f32 v60, v6  }
0xf6: {  	v62 =	vld [tilespmem:s16+$0x380];
	v10 =	vsel vm2, $0x8, v10;
	v6 =	vsel vm15, v60, v6  }
0xf7: {  	v10 =	vsel vm3, $0x9, v10;
	vm2 =	vgt.f32 v61, v6  }
0xf8: {  	v10 =	vsel vm14, $0xA, v10;
	v6 =	vsel vm2, v61, v6  }
0xf9: {  	v63 =	vsel vm15, $0xB, v10;
	vm3 =	vgt.f32 v7, v6  }
0xfa: {  	v6 =	vsel vm3, v7, v6;
	v7 =	vsel vm2, $0xC, v63  }
0xfb: {  	v7 =	vsel vm3, $0xD, v7;
	vm2 =	vgt.f32 v62, v6  }
0xfc: {  	v6 =	vsel vm2, $0xE, v7  }
0xfd: {  	v7 =	vperm.xlane v6, v3;
	_ =	sdelay $0x1  }
0xfe: {  	v5 =	vsel vm1, v5, v7  }
0xff: {  	vm3 =	vne.s32 v6, $0xE;
	vm2 =	vne.s32 v6, v5  }
0x100: {  	vm2 =	vmand vm2, vm3  }
0x101: {  	v5 =	vsel vm2, $0x1, v2  }
0x102: {  	(xrf0) =	vadd.scan.msk.s32 $0xffff, v5;
	_ =	sdelay $0x5  }
0x103: {  	v5, _, _ =	vpop (xrf0)  }
0x104: {  	(v2sf) =	vpush v5, $0xF;
	_ =	sdelay $0xa  }
0x105: {  	v7 =	vmov s14  }
0x106: {  	v7 =	vadd.s32 $0xFFFFFFFF, v7  }
0x107: {  	v7 =	vbroadcast v7, $0x0;
	_ =	sdelay $0x1  }
0x108: {  	v5 =	vadd.s32 v5, v7;
	s18 =	spop (v2sf)  }
0x109: {  	p0 =	sgt.u32 s17, $0x6;
	vm3 =	vlt.s32 v5, $0x14;
	s14 =	sadd.s32 s14, s18  }
0x10a: {  	vm2 =	vmand vm2, vm3;
	p1 =	slt.s32 @!p0 s14, $0x14  }
0x10b: {  	v5 =	vnsel vm3, $0x14, v5;
	p0 =	por p0, !p1  }
.Ltmp8:
0x10c: {  	_ = 	snop;
	(pc) =	sbr.rel @!p0 .LBB2_11-.Ltmp8, $2  }
0x10d: {  	_ =	sdelay $0x2  }
0x10e: {  	s17 =	sadd.s32 $0x1, s17;
	s16 =	sadd.s32 $0x10, s16;
	[tilespmem:v5+s11+$0x0] =	vst.idx.msk vm2, v6;
	v5 =	vperm.xlane v6, v4  }
0x10f: {  	p0 =	sgt.u32 s15, $0xE  }
0x110: {  	p1 =	slt.s32 @!p0 s14, $0x14  }
0x111: {  	p0 =	por p0, !p1  }
.Ltmp9:
0x112: {  	_ = 	snop;
	(pc) =	sbr.rel @!p0 .LBB2_10-.Ltmp9, $4  }
.Ltmp10:
0x113: {  	_ = 	snop;
	(pc) =	sbr.rel @p0 .LBB2_13-.Ltmp10, $4  }
0x114: {  	_ = 	snop  }
0x115: {  	_ = 	snop  }
0x116: {  	s15 =	sadd.s32 $0x1, s15  }
0x117: {  	_ = 	snop  }
.LBB2_14:
0x118: {  	_ =	sfence.sel $0x180000  }
0x119: {  	[bflag:$0x0] =	sbarrier.arrive $0xFFFF  }
0x11a: {  	p0 =	sne.s32 s3, $0x0;
	_ =	strace $0x90000047  }
0x11b: {  	s0 =	sadd.s32 @!p0 $0x100000, s0;
	[bflag:$0x2] =	sbarrier.arrive $0xFFFF  }
0x11c: {  	[sflag:s0] =	ssyncadd.tile.s32 @!p0 $0x1;
	_ =	shalt  }
.Lfunc_end2:
_tile_overlayer_lowered:
.L_overlay_start_2:
0x11d: {  	(tag) =	ssettag $0x2  }
0x11e: {  	s0 =	rddreg [dreg:$0x0];
	s2 =	stileid.u32  }
0x11f: {  	s1 =	rddreg [dreg:$0x1];
	p0 =	sne.s32 s2, $0x0  }
0x120: {  	s3 =	rddreg [dreg:$0x2];
	[bflag:$0x3] =	sbarrier.arrive $0xFFFF;
	s2 =	simm.s32 @!p0 $0x1C04  }
0x121: {  	[timem:s3], [sflag:s2] =	dma.local @!p0 [hbm:s0], s1  }
0x122: {  	s0 =	simm.s32 @!p0 $0x4  }
0x123: {  	_ =	swait.ge @!p0 [sflag:s0], s1  }
0x124: {  	s1 =	ssub.s32 @!p0 $0x0, s1;
	[sflag:s0] =	ssyncset.done @!p0 $0x0  }
0x125: {  	[sflag:s0] =	ssyncadd.s32 @!p0 s1  }
0x126: {  	[bflag:$0x3] =	sbarrier.arrive $0xFFFF  }
0x127: {  	_ =	shalt  }

</sc_bundles>
